<compile_context>
chip_gen: v7x
topology: tpu7x:2x2x1
jax: 0.10.2.dev20260603
libtpu: 0.0.44.dev20260713+nightly
codegen_flags: <defaults>
</compile_context>

<pallas_src>
import functools

import jax
import jax.numpy as jnp
from jax import lax
from jax.experimental import pallas as pl
from jax.experimental.pallas import tpu as pltpu
from jax.experimental.pallas import tpu_sc as plsc

B = 100000
D = 128
S = 10
E = 128

NC, NS = 2, 16
NW = NC * NS
BP = 100352
BPW = BP // NW
C = 32
NCHUNK = BPW // C
NR = S * C
_STREAMS = [(0, 128), (128, 128), (256, 64)]

TC_TILE = 2048


def _sc_body(feat_hbm, idx_hbm, out_hbm, idx0, idx1, sbuf0, sbuf1,
             nbuf0, nbuf1, mbuf0, mbuf1,
             gsem0, gsem1, ssem0, ssem1, msem0, msem1, isem0, isem1):
    wid = lax.axis_index("s") * NC + lax.axis_index("c")
    base = wid * BPW
    idxs = (idx0, idx1)
    sbufs = (sbuf0, sbuf1)
    nbufs = (nbuf0, nbuf1)
    mbufs = (mbuf0, mbuf1)
    gsems = (gsem0, gsem1)
    ssems = (ssem0, ssem1)
    msems = (msem0, msem1)
    isems = (isem0, isem1)

    def self_store_wait(b):
        pltpu.make_async_copy(
            sbufs[b], out_hbm.at[pl.ds(base, C), pl.ds(0, D)], ssems[b]).wait()

    def mean_store_wait(b):
        pltpu.make_async_copy(
            mbufs[b], out_hbm.at[pl.ds(base, C), pl.ds(D, D)], msems[b]).wait()

    def idx_fetch(c, b):
        ib = (base // C + c) * (S + 1) * C
        pltpu.async_copy(idx_hbm.at[pl.ds(ib, (S + 1) * C)], idxs[b], isems[b])

    def idx_wait(b):
        pltpu.make_async_copy(
            idx_hbm.at[pl.ds(0, (S + 1) * C)], idxs[b], isems[b]).wait()

    def fire(c, b, w):
        @pl.when(w)
        def _():
            self_store_wait(b)
        pltpu.async_copy(feat_hbm.at[idxs[b].at[pl.ds(0, C)]], sbufs[b], gsems[b])
        for o, n in _STREAMS:
            pltpu.async_copy(
                feat_hbm.at[idxs[b].at[pl.ds(C + o, n)]],
                nbufs[b].at[pl.ds(o, n)], gsems[b])

    def drain(b):
        pltpu.make_async_copy(
            feat_hbm.at[pl.ds(0, C)], sbufs[b], gsems[b]).wait()
        pltpu.make_async_copy(
            feat_hbm.at[pl.ds(0, NR)], nbufs[b], gsems[b]).wait()

    def self_store(c, b):
        pltpu.async_copy(
            sbufs[b], out_hbm.at[pl.ds(base + c * C, C), pl.ds(0, D)], ssems[b])

    def compute_store(c, b, w):
        nbuf = nbufs[b]
        mbuf = mbufs[b]

        @pl.when(w)
        def _():
            mean_store_wait(b)

        def node(i, _):
            for j in range(D // 16):
                sl = pl.ds(16 * j, 16)
                acc = nbuf[i, sl]
                for s in range(1, S):
                    acc = acc + nbuf[s * C + i, sl]
                mbuf[i, sl] = acc * (1.0 / S)
            return 0

        lax.fori_loop(0, C, node, 0)
        pltpu.async_copy(
            mbuf, out_hbm.at[pl.ds(base + c * C, C), pl.ds(D, D)], msems[b])

    idx_fetch(0, 0)
    idx_wait(0)
    fire(0, 0, False)
    idx_fetch(1, 1)

    def pair(t, _):
        idx_wait(1)
        fire(2 * t + 1, 1, t > 0)
        drain(0)
        self_store(2 * t, 0)

        @pl.when(t < NCHUNK // 2 - 1)
        def _():
            idx_fetch(2 * t + 2, 0)
        compute_store(2 * t, 0, t > 0)

        @pl.when(t < NCHUNK // 2 - 1)
        def _():
            idx_wait(0)
            fire(2 * t + 2, 0, True)
        drain(1)
        self_store(2 * t + 1, 1)

        @pl.when(t < NCHUNK // 2 - 1)
        def _():
            idx_fetch(2 * t + 3, 1)
        compute_store(2 * t + 1, 1, t > 0)
        return 0

    lax.fori_loop(0, NCHUNK // 2, pair, 0)
    for b in (0, 1):
        self_store_wait(b)
        mean_store_wait(b)


@functools.partial(
    pl.kernel,
    out_type=jax.ShapeDtypeStruct((BP, 2 * D), jnp.float32),
    mesh=plsc.VectorSubcoreMesh(
        core_axis_name="c", subcore_axis_name="s", num_cores=NC, num_subcores=NS
    ),
    scratch_types=[
        pltpu.VMEM(((S + 1) * C,), jnp.int32),
        pltpu.VMEM(((S + 1) * C,), jnp.int32),
        pltpu.VMEM((C, D), jnp.float32),
        pltpu.VMEM((C, D), jnp.float32),
        pltpu.VMEM((NR, D), jnp.float32),
        pltpu.VMEM((NR, D), jnp.float32),
        pltpu.VMEM((C, D), jnp.float32),
        pltpu.VMEM((C, D), jnp.float32),
        pltpu.SemaphoreType.DMA,
        pltpu.SemaphoreType.DMA,
        pltpu.SemaphoreType.DMA,
        pltpu.SemaphoreType.DMA,
        pltpu.SemaphoreType.DMA,
        pltpu.SemaphoreType.DMA,
        pltpu.SemaphoreType.DMA,
        pltpu.SemaphoreType.DMA,
    ],
)
def _sc_gather(feat_hbm, idx_hbm, out_hbm, idx0, idx1, sbuf0, sbuf1,
               nbuf0, nbuf1, mbuf0, mbuf1,
               gsem0, gsem1, ssem0, ssem1, msem0, msem1, isem0, isem1):
    _sc_body(feat_hbm, idx_hbm, out_hbm, idx0, idx1, sbuf0, sbuf1,
             nbuf0, nbuf1, mbuf0, mbuf1,
             gsem0, gsem1, ssem0, ssem1, msem0, msem1, isem0, isem1)


def _mm_body(comb_ref, w_ref, out_ref):
    acc = lax.dot_general(
        w_ref[...], comb_ref[...],
        dimension_numbers=(((1,), (1,)), ((), ())),
        preferred_element_type=jnp.float32,
    )
    out_ref[...] = jnp.maximum(acc, 0.0)


def _tc_matmul(combined, w):
    return pl.pallas_call(
        _mm_body,
        grid=(BP // TC_TILE,),
        in_specs=[
            pl.BlockSpec((TC_TILE, 2 * D), lambda i: (i, 0)),
            pl.BlockSpec((E, 2 * D), lambda i: (0, 0)),
        ],
        out_specs=pl.BlockSpec((E, TC_TILE), lambda i: (0, i)),
        out_shape=jax.ShapeDtypeStruct((E, B), jnp.float32),
    )(combined, w)


def kernel(nodes, neigh_idx, features, W):
    nodes = nodes.astype(jnp.int32)
    neigh = neigh_idx.astype(jnp.int32)
    idx_all = jnp.concatenate([nodes[None, :], neigh.T], axis=0)
    idx_all = jnp.pad(idx_all, ((0, 0), (0, BP - B)))
    idx_flat = (idx_all.reshape(S + 1, NW * NCHUNK, C)
                .transpose(1, 0, 2).reshape(-1))
    combined = _sc_gather(features, idx_flat)
    return _tc_matmul(combined, W)

# --- scband reference (transcript-rebuilt; emitter-appended) ---
"""Pipeline reference for scband-encoder-14027363189422 (READ-ONLY COPY).

The authoritative reference and input builder live on the scoring server;
editing this copy changes nothing except your own understanding.
"""

import jax, jax.numpy as jnp
import numpy as np

N_NODES = 100000
D_FEAT = 128
EMBED_DIM = 128
NUM_SAMPLE = 10

def setup_inputs(seed: int = 0) -> dict:
    key = jax.random.key(seed)
    k1, k2, k3, k4 = jax.random.split(key, 4)
    nodes = jax.random.randint(k1, (N_NODES,), 0, N_NODES, dtype=jnp.int64) if jax.config.jax_enable_x64 else jax.random.randint(k1, (N_NODES,), 0, N_NODES).astype(jnp.int32)
    neigh_idx = jax.random.randint(k2, (N_NODES, NUM_SAMPLE), 0, N_NODES).astype(nodes.dtype)
    features = jax.random.normal(k3, (N_NODES, D_FEAT), dtype=jnp.float32)
    # xavier_uniform for weight [embed_dim, 2*feat_dim] (gcn=False -> concat of self + neigh)
    fan_in, fan_out = 2 * D_FEAT, EMBED_DIM
    bound = float(np.sqrt(6.0 / (fan_in + fan_out)))
    W = jax.random.uniform(k4, (EMBED_DIM, 2 * D_FEAT), dtype=jnp.float32, minval=-bound, maxval=bound)
    return {"nodes": nodes, "neigh_idx": neigh_idx, "features": features, "W": W}

def reference(nodes, neigh_idx, features, W):
    # self features: embedding lookup for the batch of nodes
    self_feats = jnp.take(features, nodes, axis=0)                      # [B, D]
    # mean aggregator over num_sample sampled neighbors (adj_lists sampling
    # is materialized as the int tensor neigh_idx)
    neigh_gathered = jnp.take(features, neigh_idx, axis=0)              # [B, S, D]
    neigh_feats = jnp.mean(neigh_gathered, axis=1)                      # [B, D]
    combined = jnp.concatenate([self_feats, neigh_feats], axis=1)       # [B, 2D]
    out = jax.nn.relu(W @ combined.T)                                   # [embed_dim, B]
    return out

if __name__ == "__main__":
    import jax
    _d = setup_inputs()
    print(jax.jit(kernel)(*tuple(_d.values())))

</pallas_src>

<mosaic_0001>
#map = affine_map<(d0, d1) -> (0, 0)>
#map1 = affine_map<(d0, d1) -> (0)>
module attributes {stable_mosaic.version = 14 : i64} {
  func.func @_sc_gather(%arg0: i32, %arg1: i32, %arg2: memref<100000x128xf32, #tpu.memory_space<hbm>>, %arg3: memref<1103872xi32, #tpu.memory_space<hbm>>, %arg4: memref<100352x256xf32, #tpu.memory_space<hbm>>, %arg5: memref<352xi32, #tpu.memory_space<vmem>>, %arg6: memref<352xi32, #tpu.memory_space<vmem>>, %arg7: memref<32x128xf32, #tpu.memory_space<vmem>>, %arg8: memref<32x128xf32, #tpu.memory_space<vmem>>, %arg9: memref<320x128xf32, #tpu.memory_space<vmem>>, %arg10: memref<320x128xf32, #tpu.memory_space<vmem>>, %arg11: memref<32x128xf32, #tpu.memory_space<vmem>>, %arg12: memref<32x128xf32, #tpu.memory_space<vmem>>, %arg13: memref<!tpu.dma_semaphore, #tpu.memory_space<semaphore_mem>>, %arg14: memref<!tpu.dma_semaphore, #tpu.memory_space<semaphore_mem>>, %arg15: memref<!tpu.dma_semaphore, #tpu.memory_space<semaphore_mem>>, %arg16: memref<!tpu.dma_semaphore, #tpu.memory_space<semaphore_mem>>, %arg17: memref<!tpu.dma_semaphore, #tpu.memory_space<semaphore_mem>>, %arg18: memref<!tpu.dma_semaphore, #tpu.memory_space<semaphore_mem>>, %arg19: memref<!tpu.dma_semaphore, #tpu.memory_space<semaphore_mem>>, %arg20: memref<!tpu.dma_semaphore, #tpu.memory_space<semaphore_mem>>) attributes {dimension_semantics = [#tpu.dimension_semantics<core_parallel>, #tpu.dimension_semantics<subcore_parallel>], iteration_bounds = array<i64: 2, 16>, scalar_prefetch = 0 : i64, scratch_operands = 16 : i64, tpu.core_type = #tpu.core_type<sc_vector_subcore>, window_params = [{transform_indices = #map}, {transform_indices = #map1}, {transform_indices = #map}]} {
    %mul3A = arith.constant 2 : i32
    %mul3A_0 = arith.muli %arg1, %mul3A : i32
    %add3A = arith.addi %mul3A_0, %arg0 : i32
    %mul3A_1 = arith.constant 3136 : i32
    %mul3A_2 = arith.muli %add3A, %mul3A_1 : i32
    %jit3A = arith.constant 32 : i32
    %div3A = arith.divsi %mul3A_2, %jit3A : i32
    %sign3A = arith.constant 0 : i32
    %sign3A_3 = arith.cmpi sgt, %mul3A_2, %sign3A : i32
    %sign3A_4 = arith.extui %sign3A_3 : i1 to i32
    %sign3A_5 = arith.constant 0 : i32
    %sign3A_6 = arith.cmpi slt, %mul3A_2, %sign3A_5 : i32
    %sign3A_7 = arith.extui %sign3A_6 : i1 to i32
    %sign3A_8 = arith.subi %sign3A_4, %sign3A_7 : i32
    %sign3A_9 = arith.constant 0 : i32
    %sign3A_10 = arith.cmpi sgt, %jit3A, %sign3A_9 : i32
    %sign3A_11 = arith.extui %sign3A_10 : i1 to i32
    %sign3A_12 = arith.constant 0 : i32
    %sign3A_13 = arith.cmpi slt, %jit3A, %sign3A_12 : i32
    %sign3A_14 = arith.extui %sign3A_13 : i1 to i32
    %sign3A_15 = arith.subi %sign3A_11, %sign3A_14 : i32
    %ne3A = arith.cmpi ne, %sign3A_8, %sign3A_15 : i32
    %rem3A = arith.remsi %mul3A_2, %jit3A : i32
    %ne3A_16 = arith.constant 0 : i32
    %ne3A_17 = arith.cmpi ne, %rem3A, %ne3A_16 : i32
    %and3A = arith.andi %ne3A, %ne3A_17 : i1
    %sub3A = arith.constant 1 : i32
    %sub3A_18 = arith.subi %div3A, %sub3A : i32
    %select_n3A = arith.select %and3A, %sub3A_18, %div3A : i32
    %add3A_19 = arith.constant 0 : i32
    %add3A_20 = arith.addi %select_n3A, %add3A_19 : i32
    %mul3A_21 = arith.constant 11 : i32
    %mul3A_22 = arith.muli %add3A_20, %mul3A_21 : i32
    %mul3A_23 = arith.constant 32 : i32
    %mul3A_24 = arith.muli %mul3A_22, %mul3A_23 : i32
    %dma_start3A = tpu.memref_slice %arg3[%mul3A_24] : memref<1103872xi32, #tpu.memory_space<hbm>> -> memref<352xi32, #tpu.memory_space<hbm>>
    %dma_start3A_25 = tpu.memref_slice %arg3[%mul3A_24] : memref<1103872xi32, #tpu.memory_space<hbm>> -> memref<352xi32, #tpu.memory_space<hbm>>
    tpu.enqueue_dma source(%dma_start3A_25 : memref<352xi32, #tpu.memory_space<hbm>>) target(%arg5 : memref<352xi32, #tpu.memory_space<vmem>>) target_semaphore(%arg19 : memref<!tpu.dma_semaphore, #tpu.memory_space<semaphore_mem>>)
    %dma_wait3A = arith.constant 0 : i32
    %dma_wait3A_26 = tpu.memref_slice %arg3[%dma_wait3A] : memref<1103872xi32, #tpu.memory_space<hbm>> -> memref<352xi32, #tpu.memory_space<hbm>>
    %dma_wait3A_27 = arith.constant 0 : i32
    %dma_wait3A_28 = tpu.memref_slice %arg3[%dma_wait3A_27] : memref<1103872xi32, #tpu.memory_space<hbm>> -> memref<352xi32, #tpu.memory_space<hbm>>
    tpu.wait_dma2 semaphore(%arg19 : memref<!tpu.dma_semaphore, #tpu.memory_space<semaphore_mem>>) src(%dma_wait3A_28 : memref<352xi32, #tpu.memory_space<hbm>>) dst(%arg5 : memref<352xi32, #tpu.memory_space<vmem>>)
    %dma_start3A_29 = arith.constant 0 : i32
    %dma_start3A_30 = tpu.memref_slice %arg5[%dma_start3A_29] : memref<352xi32, #tpu.memory_space<vmem>> -> memref<32xi32, #tpu.memory_space<vmem>>
    %dma_start3A_31 = arith.constant 0 : i32
    %dma_start3A_32 = arith.constant 0 : i32
    %dma_start3A_33 = tpu.memref_slice %arg2[%dma_start3A_31, %dma_start3A_32] : memref<100000x128xf32, #tpu.memory_space<hbm>> -> memref<100000x128xf32, #tpu.memory_space<hbm>>
    tpu.enqueue_indirect_dma source(%dma_start3A_33 : memref<100000x128xf32, #tpu.memory_space<hbm>>) target(%arg7 : memref<32x128xf32, #tpu.memory_space<vmem>>) offsets(%dma_start3A_30 : memref<32xi32, #tpu.memory_space<vmem>>) semaphore(%arg13 : memref<!tpu.dma_semaphore, #tpu.memory_space<semaphore_mem>>)
    %dma_start3A_34 = arith.constant 0 : i32
    %dma_start3A_35 = arith.constant 0 : i32
    %dma_start3A_36 = tpu.memref_slice %arg9[%dma_start3A_34, %dma_start3A_35] : memref<320x128xf32, #tpu.memory_space<vmem>> -> memref<128x128xf32, #tpu.memory_space<vmem>>
    %dma_start3A_37 = arith.constant 32 : i32
    %dma_start3A_38 = tpu.memref_slice %arg5[%dma_start3A_37] : memref<352xi32, #tpu.memory_space<vmem>> -> memref<128xi32, #tpu.memory_space<vmem>>
    %dma_start3A_39 = arith.constant 0 : i32
    %dma_start3A_40 = arith.constant 0 : i32
    %dma_start3A_41 = tpu.memref_slice %arg2[%dma_start3A_39, %dma_start3A_40] : memref<100000x128xf32, #tpu.memory_space<hbm>> -> memref<100000x128xf32, #tpu.memory_space<hbm>>
    tpu.enqueue_indirect_dma source(%dma_start3A_41 : memref<100000x128xf32, #tpu.memory_space<hbm>>) target(%dma_start3A_36 : memref<128x128xf32, #tpu.memory_space<vmem>>) offsets(%dma_start3A_38 : memref<128xi32, #tpu.memory_space<vmem>>) semaphore(%arg13 : memref<!tpu.dma_semaphore, #tpu.memory_space<semaphore_mem>>)
    %dma_start3A_42 = arith.constant 128 : i32
    %dma_start3A_43 = arith.constant 0 : i32
    %dma_start3A_44 = tpu.memref_slice %arg9[%dma_start3A_42, %dma_start3A_43] : memref<320x128xf32, #tpu.memory_space<vmem>> -> memref<128x128xf32, #tpu.memory_space<vmem>>
    %dma_start3A_45 = arith.constant 160 : i32
    %dma_start3A_46 = tpu.memref_slice %arg5[%dma_start3A_45] : memref<352xi32, #tpu.memory_space<vmem>> -> memref<128xi32, #tpu.memory_space<vmem>>
    %dma_start3A_47 = arith.constant 0 : i32
    %dma_start3A_48 = arith.constant 0 : i32
    %dma_start3A_49 = tpu.memref_slice %arg2[%dma_start3A_47, %dma_start3A_48] : memref<100000x128xf32, #tpu.memory_space<hbm>> -> memref<100000x128xf32, #tpu.memory_space<hbm>>
    tpu.enqueue_indirect_dma source(%dma_start3A_49 : memref<100000x128xf32, #tpu.memory_space<hbm>>) target(%dma_start3A_44 : memref<128x128xf32, #tpu.memory_space<vmem>>) offsets(%dma_start3A_46 : memref<128xi32, #tpu.memory_space<vmem>>) semaphore(%arg13 : memref<!tpu.dma_semaphore, #tpu.memory_space<semaphore_mem>>)
    %dma_start3A_50 = arith.constant 256 : i32
    %dma_start3A_51 = arith.constant 0 : i32
    %dma_start3A_52 = tpu.memref_slice %arg9[%dma_start3A_50, %dma_start3A_51] : memref<320x128xf32, #tpu.memory_space<vmem>> -> memref<64x128xf32, #tpu.memory_space<vmem>>
    %dma_start3A_53 = arith.constant 288 : i32
    %dma_start3A_54 = tpu.memref_slice %arg5[%dma_start3A_53] : memref<352xi32, #tpu.memory_space<vmem>> -> memref<64xi32, #tpu.memory_space<vmem>>
    %dma_start3A_55 = arith.constant 0 : i32
    %dma_start3A_56 = arith.constant 0 : i32
    %dma_start3A_57 = tpu.memref_slice %arg2[%dma_start3A_55, %dma_start3A_56] : memref<100000x128xf32, #tpu.memory_space<hbm>> -> memref<100000x128xf32, #tpu.memory_space<hbm>>
    tpu.enqueue_indirect_dma source(%dma_start3A_57 : memref<100000x128xf32, #tpu.memory_space<hbm>>) target(%dma_start3A_52 : memref<64x128xf32, #tpu.memory_space<vmem>>) offsets(%dma_start3A_54 : memref<64xi32, #tpu.memory_space<vmem>>) semaphore(%arg13 : memref<!tpu.dma_semaphore, #tpu.memory_space<semaphore_mem>>)
    %jit3A_58 = arith.constant 32 : i32
    %div3A_59 = arith.divsi %mul3A_2, %jit3A_58 : i32
    %sign3A_60 = arith.constant 0 : i32
    %sign3A_61 = arith.cmpi sgt, %mul3A_2, %sign3A_60 : i32
    %sign3A_62 = arith.extui %sign3A_61 : i1 to i32
    %sign3A_63 = arith.constant 0 : i32
    %sign3A_64 = arith.cmpi slt, %mul3A_2, %sign3A_63 : i32
    %sign3A_65 = arith.extui %sign3A_64 : i1 to i32
    %sign3A_66 = arith.subi %sign3A_62, %sign3A_65 : i32
    %sign3A_67 = arith.constant 0 : i32
    %sign3A_68 = arith.cmpi sgt, %jit3A_58, %sign3A_67 : i32
    %sign3A_69 = arith.extui %sign3A_68 : i1 to i32
    %sign3A_70 = arith.constant 0 : i32
    %sign3A_71 = arith.cmpi slt, %jit3A_58, %sign3A_70 : i32
    %sign3A_72 = arith.extui %sign3A_71 : i1 to i32
    %sign3A_73 = arith.subi %sign3A_69, %sign3A_72 : i32
    %ne3A_74 = arith.cmpi ne, %sign3A_66, %sign3A_73 : i32
    %rem3A_75 = arith.remsi %mul3A_2, %jit3A_58 : i32
    %ne3A_76 = arith.constant 0 : i32
    %ne3A_77 = arith.cmpi ne, %rem3A_75, %ne3A_76 : i32
    %and3A_78 = arith.andi %ne3A_74, %ne3A_77 : i1
    %sub3A_79 = arith.constant 1 : i32
    %sub3A_80 = arith.subi %div3A_59, %sub3A_79 : i32
    %select_n3A_81 = arith.select %and3A_78, %sub3A_80, %div3A_59 : i32
    %add3A_82 = arith.constant 1 : i32
    %add3A_83 = arith.addi %select_n3A_81, %add3A_82 : i32
    %mul3A_84 = arith.constant 11 : i32
    %mul3A_85 = arith.muli %add3A_83, %mul3A_84 : i32
    %mul3A_86 = arith.constant 32 : i32
    %mul3A_87 = arith.muli %mul3A_85, %mul3A_86 : i32
    %dma_start3A_88 = tpu.memref_slice %arg3[%mul3A_87] : memref<1103872xi32, #tpu.memory_space<hbm>> -> memref<352xi32, #tpu.memory_space<hbm>>
    %dma_start3A_89 = tpu.memref_slice %arg3[%mul3A_87] : memref<1103872xi32, #tpu.memory_space<hbm>> -> memref<352xi32, #tpu.memory_space<hbm>>
    tpu.enqueue_dma source(%dma_start3A_89 : memref<352xi32, #tpu.memory_space<hbm>>) target(%arg6 : memref<352xi32, #tpu.memory_space<vmem>>) target_semaphore(%arg20 : memref<!tpu.dma_semaphore, #tpu.memory_space<semaphore_mem>>)
    %scan3A = arith.constant 0 : i32
    %scan3A_90 = arith.constant 0 : i32
    %scan3A_91 = arith.constant 49 : i32
    %scan3A_92 = arith.addi %scan3A_90, %scan3A_91 : i32
    %scan3A_93 = arith.constant 1 : i32
    %scan3A_94 = scf.for %scan3A_112 = %scan3A_90 to %scan3A_92 step %scan3A_93 iter_args(%scan3A_113 = %scan3A) -> (i32)  : i32 {
      %dma_wait3A_114 = arith.constant 0 : i32
      %dma_wait3A_115 = tpu.memref_slice %arg3[%dma_wait3A_114] : memref<1103872xi32, #tpu.memory_space<hbm>> -> memref<352xi32, #tpu.memory_space<hbm>>
      %dma_wait3A_116 = arith.constant 0 : i32
      %dma_wait3A_117 = tpu.memref_slice %arg3[%dma_wait3A_116] : memref<1103872xi32, #tpu.memory_space<hbm>> -> memref<352xi32, #tpu.memory_space<hbm>>
      tpu.wait_dma2 semaphore(%arg20 : memref<!tpu.dma_semaphore, #tpu.memory_space<semaphore_mem>>) src(%dma_wait3A_117 : memref<352xi32, #tpu.memory_space<hbm>>) dst(%arg6 : memref<352xi32, #tpu.memory_space<vmem>>)
      %mul3A_118 = arith.constant 2 : i32
      %mul3A_119 = arith.muli %mul3A_118, %scan3A_112 : i32
      %add3A_120 = arith.constant 1 : i32
      %add3A_121 = arith.addi %mul3A_119, %add3A_120 : i32
      %gt3A = arith.constant 0 : i32
      %gt3A_122 = arith.cmpi sgt, %scan3A_112, %gt3A : i32
      %convert_element_type3A = arith.extui %gt3A_122 : i1 to i32
      %cond3A = arith.constant 0 : i32
      %cond3A_123 = arith.cmpi ne, %convert_element_type3A, %cond3A : i32
      scf.if %cond3A_123 {
        %dma_wait3A_256 = arith.constant 0 : i32
        %dma_wait3A_257 = tpu.memref_slice %arg4[%mul3A_2, %dma_wait3A_256] : memref<100352x256xf32, #tpu.memory_space<hbm>> -> memref<32x128xf32, #tpu.memory_space<hbm>>
        %dma_wait3A_258 = arith.constant 0 : i32
        %dma_wait3A_259 = tpu.memref_slice %arg4[%mul3A_2, %dma_wait3A_258] : memref<100352x256xf32, #tpu.memory_space<hbm>> -> memref<32x128xf32, #tpu.memory_space<hbm>>
        tpu.wait_dma2 semaphore(%arg16 : memref<!tpu.dma_semaphore, #tpu.memory_space<semaphore_mem>>) src(%arg8 : memref<32x128xf32, #tpu.memory_space<vmem>>) dst(%dma_wait3A_259 : memref<32x128xf32, #tpu.memory_space<hbm>>)
      } else {
      }
      %dma_start3A_124 = arith.constant 0 : i32
      %dma_start3A_125 = tpu.memref_slice %arg6[%dma_start3A_124] : memref<352xi32, #tpu.memory_space<vmem>> -> memref<32xi32, #tpu.memory_space<vmem>>
      %dma_start3A_126 = arith.constant 0 : i32
      %dma_start3A_127 = arith.constant 0 : i32
      %dma_start3A_128 = tpu.memref_slice %arg2[%dma_start3A_126, %dma_start3A_127] : memref<100000x128xf32, #tpu.memory_space<hbm>> -> memref<100000x128xf32, #tpu.memory_space<hbm>>
      tpu.enqueue_indirect_dma source(%dma_start3A_128 : memref<100000x128xf32, #tpu.memory_space<hbm>>) target(%arg8 : memref<32x128xf32, #tpu.memory_space<vmem>>) offsets(%dma_start3A_125 : memref<32xi32, #tpu.memory_space<vmem>>) semaphore(%arg14 : memref<!tpu.dma_semaphore, #tpu.memory_space<semaphore_mem>>)
      %dma_start3A_129 = arith.constant 0 : i32
      %dma_start3A_130 = arith.constant 0 : i32
      %dma_start3A_131 = tpu.memref_slice %arg10[%dma_start3A_129, %dma_start3A_130] : memref<320x128xf32, #tpu.memory_space<vmem>> -> memref<128x128xf32, #tpu.memory_space<vmem>>
      %dma_start3A_132 = arith.constant 32 : i32
      %dma_start3A_133 = tpu.memref_slice %arg6[%dma_start3A_132] : memref<352xi32, #tpu.memory_space<vmem>> -> memref<128xi32, #tpu.memory_space<vmem>>
      %dma_start3A_134 = arith.constant 0 : i32
      %dma_start3A_135 = arith.constant 0 : i32
      %dma_start3A_136 = tpu.memref_slice %arg2[%dma_start3A_134, %dma_start3A_135] : memref<100000x128xf32, #tpu.memory_space<hbm>> -> memref<100000x128xf32, #tpu.memory_space<hbm>>
      tpu.enqueue_indirect_dma source(%dma_start3A_136 : memref<100000x128xf32, #tpu.memory_space<hbm>>) target(%dma_start3A_131 : memref<128x128xf32, #tpu.memory_space<vmem>>) offsets(%dma_start3A_133 : memref<128xi32, #tpu.memory_space<vmem>>) semaphore(%arg14 : memref<!tpu.dma_semaphore, #tpu.memory_space<semaphore_mem>>)
      %dma_start3A_137 = arith.constant 128 : i32
      %dma_start3A_138 = arith.constant 0 : i32
      %dma_start3A_139 = tpu.memref_slice %arg10[%dma_start3A_137, %dma_start3A_138] : memref<320x128xf32, #tpu.memory_space<vmem>> -> memref<128x128xf32, #tpu.memory_space<vmem>>
      %dma_start3A_140 = arith.constant 160 : i32
      %dma_start3A_141 = tpu.memref_slice %arg6[%dma_start3A_140] : memref<352xi32, #tpu.memory_space<vmem>> -> memref<128xi32, #tpu.memory_space<vmem>>
      %dma_start3A_142 = arith.constant 0 : i32
      %dma_start3A_143 = arith.constant 0 : i32
      %dma_start3A_144 = tpu.memref_slice %arg2[%dma_start3A_142, %dma_start3A_143] : memref<100000x128xf32, #tpu.memory_space<hbm>> -> memref<100000x128xf32, #tpu.memory_space<hbm>>
      tpu.enqueue_indirect_dma source(%dma_start3A_144 : memref<100000x128xf32, #tpu.memory_space<hbm>>) target(%dma_start3A_139 : memref<128x128xf32, #tpu.memory_space<vmem>>) offsets(%dma_start3A_141 : memref<128xi32, #tpu.memory_space<vmem>>) semaphore(%arg14 : memref<!tpu.dma_semaphore, #tpu.memory_space<semaphore_mem>>)
      %dma_start3A_145 = arith.constant 256 : i32
      %dma_start3A_146 = arith.constant 0 : i32
      %dma_start3A_147 = tpu.memref_slice %arg10[%dma_start3A_145, %dma_start3A_146] : memref<320x128xf32, #tpu.memory_space<vmem>> -> memref<64x128xf32, #tpu.memory_space<vmem>>
      %dma_start3A_148 = arith.constant 288 : i32
      %dma_start3A_149 = tpu.memref_slice %arg6[%dma_start3A_148] : memref<352xi32, #tpu.memory_space<vmem>> -> memref<64xi32, #tpu.memory_space<vmem>>
      %dma_start3A_150 = arith.constant 0 : i32
      %dma_start3A_151 = arith.constant 0 : i32
      %dma_start3A_152 = tpu.memref_slice %arg2[%dma_start3A_150, %dma_start3A_151] : memref<100000x128xf32, #tpu.memory_space<hbm>> -> memref<100000x128xf32, #tpu.memory_space<hbm>>
      tpu.enqueue_indirect_dma source(%dma_start3A_152 : memref<100000x128xf32, #tpu.memory_space<hbm>>) target(%dma_start3A_147 : memref<64x128xf32, #tpu.memory_space<vmem>>) offsets(%dma_start3A_149 : memref<64xi32, #tpu.memory_space<vmem>>) semaphore(%arg14 : memref<!tpu.dma_semaphore, #tpu.memory_space<semaphore_mem>>)
      %dma_wait3A_153 = arith.constant 0 : i32
      %dma_wait3A_154 = arith.constant 0 : i32
      %dma_wait3A_155 = tpu.memref_slice %arg2[%dma_wait3A_153, %dma_wait3A_154] : memref<100000x128xf32, #tpu.memory_space<hbm>> -> memref<32x128xf32, #tpu.memory_space<hbm>>
      %dma_wait3A_156 = arith.constant 0 : i32
      %dma_wait3A_157 = arith.constant 0 : i32
      %dma_wait3A_158 = tpu.memref_slice %arg2[%dma_wait3A_156, %dma_wait3A_157] : memref<100000x128xf32, #tpu.memory_space<hbm>> -> memref<32x128xf32, #tpu.memory_space<hbm>>
      tpu.wait_dma2 semaphore(%arg13 : memref<!tpu.dma_semaphore, #tpu.memory_space<semaphore_mem>>) src(%dma_wait3A_158 : memref<32x128xf32, #tpu.memory_space<hbm>>) dst(%arg7 : memref<32x128xf32, #tpu.memory_space<vmem>>)
      %dma_wait3A_159 = arith.constant 0 : i32
      %dma_wait3A_160 = arith.constant 0 : i32
      %dma_wait3A_161 = tpu.memref_slice %arg2[%dma_wait3A_159, %dma_wait3A_160] : memref<100000x128xf32, #tpu.memory_space<hbm>> -> memref<320x128xf32, #tpu.memory_space<hbm>>
      %dma_wait3A_162 = arith.constant 0 : i32
      %dma_wait3A_163 = arith.constant 0 : i32
      %dma_wait3A_164 = tpu.memref_slice %arg2[%dma_wait3A_162, %dma_wait3A_163] : memref<100000x128xf32, #tpu.memory_space<hbm>> -> memref<320x128xf32, #tpu.memory_space<hbm>>
      tpu.wait_dma2 semaphore(%arg13 : memref<!tpu.dma_semaphore, #tpu.memory_space<semaphore_mem>>) src(%dma_wait3A_164 : memref<320x128xf32, #tpu.memory_space<hbm>>) dst(%arg9 : memref<320x128xf32, #tpu.memory_space<vmem>>)
      %mul3A_165 = arith.constant 2 : i32
      %mul3A_166 = arith.muli %mul3A_165, %scan3A_112 : i32
      %mul3A_167 = arith.constant 32 : i32
      %mul3A_168 = arith.muli %mul3A_166, %mul3A_167 : i32
      %add3A_169 = arith.addi %mul3A_2, %mul3A_168 : i32
      %dma_start3A_170 = arith.constant 0 : i32
      %dma_start3A_171 = tpu.memref_slice %arg4[%add3A_169, %dma_start3A_170] : memref<100352x256xf32, #tpu.memory_space<hbm>> -> memref<32x128xf32, #tpu.memory_space<hbm>>
      %dma_start3A_172 = arith.constant 0 : i32
      %dma_start3A_173 = tpu.memref_slice %arg4[%add3A_169, %dma_start3A_172] : memref<100352x256xf32, #tpu.memory_space<hbm>> -> memref<32x128xf32, #tpu.memory_space<hbm>>
      tpu.enqueue_dma source(%arg7 : memref<32x128xf32, #tpu.memory_space<vmem>>) target(%dma_start3A_173 : memref<32x128xf32, #tpu.memory_space<hbm>>) target_semaphore(%arg15 : memref<!tpu.dma_semaphore, #tpu.memory_space<semaphore_mem>>)
      %lt3A = arith.constant 48 : i32
      %lt3A_174 = arith.cmpi slt, %scan3A_112, %lt3A : i32
      %convert_element_type3A_175 = arith.extui %lt3A_174 : i1 to i32
      %cond3A_176 = arith.constant 0 : i32
      %cond3A_177 = arith.cmpi ne, %convert_element_type3A_175, %cond3A_176 : i32
      scf.if %cond3A_177 {
        %mul3A_256 = arith.constant 2 : i32
        %mul3A_257 = arith.muli %mul3A_256, %scan3A_112 : i32
        %add3A_258 = arith.constant 2 : i32
        %add3A_259 = arith.addi %mul3A_257, %add3A_258 : i32
        %jit3A_260 = arith.constant 32 : i32
        %div3A_261 = arith.divsi %mul3A_2, %jit3A_260 : i32
        %sign3A_262 = arith.constant 0 : i32
        %sign3A_263 = arith.cmpi sgt, %mul3A_2, %sign3A_262 : i32
        %sign3A_264 = arith.extui %sign3A_263 : i1 to i32
        %sign3A_265 = arith.constant 0 : i32
        %sign3A_266 = arith.cmpi slt, %mul3A_2, %sign3A_265 : i32
        %sign3A_267 = arith.extui %sign3A_266 : i1 to i32
        %sign3A_268 = arith.subi %sign3A_264, %sign3A_267 : i32
        %sign3A_269 = arith.constant 0 : i32
        %sign3A_270 = arith.cmpi sgt, %jit3A_260, %sign3A_269 : i32
        %sign3A_271 = arith.extui %sign3A_270 : i1 to i32
        %sign3A_272 = arith.constant 0 : i32
        %sign3A_273 = arith.cmpi slt, %jit3A_260, %sign3A_272 : i32
        %sign3A_274 = arith.extui %sign3A_273 : i1 to i32
        %sign3A_275 = arith.subi %sign3A_271, %sign3A_274 : i32
        %ne3A_276 = arith.cmpi ne, %sign3A_268, %sign3A_275 : i32
        %rem3A_277 = arith.remsi %mul3A_2, %jit3A_260 : i32
        %ne3A_278 = arith.constant 0 : i32
        %ne3A_279 = arith.cmpi ne, %rem3A_277, %ne3A_278 : i32
        %and3A_280 = arith.andi %ne3A_276, %ne3A_279 : i1
        %sub3A_281 = arith.constant 1 : i32
        %sub3A_282 = arith.subi %div3A_261, %sub3A_281 : i32
        %select_n3A_283 = arith.select %and3A_280, %sub3A_282, %div3A_261 : i32
        %add3A_284 = arith.addi %select_n3A_283, %add3A_259 : i32
        %mul3A_285 = arith.constant 11 : i32
        %mul3A_286 = arith.muli %add3A_284, %mul3A_285 : i32
        %mul3A_287 = arith.constant 32 : i32
        %mul3A_288 = arith.muli %mul3A_286, %mul3A_287 : i32
        %dma_start3A_289 = tpu.memref_slice %arg3[%mul3A_288] : memref<1103872xi32, #tpu.memory_space<hbm>> -> memref<352xi32, #tpu.memory_space<hbm>>
        %dma_start3A_290 = tpu.memref_slice %arg3[%mul3A_288] : memref<1103872xi32, #tpu.memory_space<hbm>> -> memref<352xi32, #tpu.memory_space<hbm>>
        tpu.enqueue_dma source(%dma_start3A_290 : memref<352xi32, #tpu.memory_space<hbm>>) target(%arg5 : memref<352xi32, #tpu.memory_space<vmem>>) target_semaphore(%arg19 : memref<!tpu.dma_semaphore, #tpu.memory_space<semaphore_mem>>)
      } else {
      }
      %mul3A_178 = arith.constant 2 : i32
      %mul3A_179 = arith.muli %mul3A_178, %scan3A_112 : i32
      %gt3A_180 = arith.constant 0 : i32
      %gt3A_181 = arith.cmpi sgt, %scan3A_112, %gt3A_180 : i32
      %convert_element_type3A_182 = arith.extui %gt3A_181 : i1 to i32
      %cond3A_183 = arith.constant 0 : i32
      %cond3A_184 = arith.cmpi ne, %convert_element_type3A_182, %cond3A_183 : i32
      scf.if %cond3A_184 {
        %dma_wait3A_256 = arith.constant 128 : i32
        %dma_wait3A_257 = tpu.memref_slice %arg4[%mul3A_2, %dma_wait3A_256] : memref<100352x256xf32, #tpu.memory_space<hbm>> -> memref<32x128xf32, #tpu.memory_space<hbm>>
        %dma_wait3A_258 = arith.constant 128 : i32
        %dma_wait3A_259 = tpu.memref_slice %arg4[%mul3A_2, %dma_wait3A_258] : memref<100352x256xf32, #tpu.memory_space<hbm>> -> memref<32x128xf32, #tpu.memory_space<hbm>>
        tpu.wait_dma2 semaphore(%arg17 : memref<!tpu.dma_semaphore, #tpu.memory_space<semaphore_mem>>) src(%arg11 : memref<32x128xf32, #tpu.memory_space<vmem>>) dst(%dma_wait3A_259 : memref<32x128xf32, #tpu.memory_space<hbm>>)
      } else {
      }
      %scan3A_185 = arith.constant 0 : i32
      %scan3A_186 = arith.constant 0 : i32
      %scan3A_187 = arith.constant 32 : i32
      %scan3A_188 = arith.addi %scan3A_186, %scan3A_187 : i32
      %scan3A_189 = arith.constant 1 : i32
      %scan3A_190 = scf.for %scan3A_256 = %scan3A_186 to %scan3A_188 step %scan3A_189 iter_args(%scan3A_257 = %scan3A_185) -> (i32)  : i32 {
        %get3A = arith.index_cast %scan3A_256 : i32 to index
        %get3A_258 = arith.constant 0 : index
        %get3A_259 = tpu.vector_load %arg9[%get3A, %get3A_258] {strides = array<i32>} : memref<320x128xf32, #tpu.memory_space<vmem>>, vector<1x16xf32>,
        %get3A_260 = vector.shape_cast %get3A_259 : vector<1x16xf32> to vector<16xf32>
        %add3A_261 = arith.constant 32 : i32
        %add3A_262 = arith.addi %add3A_261, %scan3A_256 : i32
        %get3A_263 = arith.index_cast %add3A_262 : i32 to index
        %get3A_264 = arith.constant 0 : index
        %get3A_265 = tpu.vector_load %arg9[%get3A_263, %get3A_264] {strides = array<i32>} : memref<320x128xf32, #tpu.memory_space<vmem>>, vector<1x16xf32>,
        %get3A_266 = vector.shape_cast %get3A_265 : vector<1x16xf32> to vector<16xf32>
        %add3A_267 = arith.addf %get3A_260, %get3A_266 : vector<16xf32>
        %add3A_268 = arith.constant 64 : i32
        %add3A_269 = arith.addi %add3A_268, %scan3A_256 : i32
        %get3A_270 = arith.index_cast %add3A_269 : i32 to index
        %get3A_271 = arith.constant 0 : index
        %get3A_272 = tpu.vector_load %arg9[%get3A_270, %get3A_271] {strides = array<i32>} : memref<320x128xf32, #tpu.memory_space<vmem>>, vector<1x16xf32>,
        %get3A_273 = vector.shape_cast %get3A_272 : vector<1x16xf32> to vector<16xf32>
        %add3A_274 = arith.addf %add3A_267, %get3A_273 : vector<16xf32>
        %add3A_275 = arith.constant 96 : i32
        %add3A_276 = arith.addi %add3A_275, %scan3A_256 : i32
        %get3A_277 = arith.index_cast %add3A_276 : i32 to index
        %get3A_278 = arith.constant 0 : index
        %get3A_279 = tpu.vector_load %arg9[%get3A_277, %get3A_278] {strides = array<i32>} : memref<320x128xf32, #tpu.memory_space<vmem>>, vector<1x16xf32>,
        %get3A_280 = vector.shape_cast %get3A_279 : vector<1x16xf32> to vector<16xf32>
        %add3A_281 = arith.addf %add3A_274, %get3A_280 : vector<16xf32>
        %add3A_282 = arith.constant 128 : i32
        %add3A_283 = arith.addi %add3A_282, %scan3A_256 : i32
        %get3A_284 = arith.index_cast %add3A_283 : i32 to index
        %get3A_285 = arith.constant 0 : index
        %get3A_286 = tpu.vector_load %arg9[%get3A_284, %get3A_285] {strides = array<i32>} : memref<320x128xf32, #tpu.memory_space<vmem>>, vector<1x16xf32>,
        %get3A_287 = vector.shape_cast %get3A_286 : vector<1x16xf32> to vector<16xf32>
        %add3A_288 = arith.addf %add3A_281, %get3A_287 : vector<16xf32>
        %add3A_289 = arith.constant 160 : i32
        %add3A_290 = arith.addi %add3A_289, %scan3A_256 : i32
        %get3A_291 = arith.index_cast %add3A_290 : i32 to index
        %get3A_292 = arith.constant 0 : index
        %get3A_293 = tpu.vector_load %arg9[%get3A_291, %get3A_292] {strides = array<i32>} : memref<320x128xf32, #tpu.memory_space<vmem>>, vector<1x16xf32>,
        %get3A_294 = vector.shape_cast %get3A_293 : vector<1x16xf32> to vector<16xf32>
        %add3A_295 = arith.addf %add3A_288, %get3A_294 : vector<16xf32>
        %add3A_296 = arith.constant 192 : i32
        %add3A_297 = arith.addi %add3A_296, %scan3A_256 : i32
        %get3A_298 = arith.index_cast %add3A_297 : i32 to index
        %get3A_299 = arith.constant 0 : index
        %get3A_300 = tpu.vector_load %arg9[%get3A_298, %get3A_299] {strides = array<i32>} : memref<320x128xf32, #tpu.memory_space<vmem>>, vector<1x16xf32>,
        %get3A_301 = vector.shape_cast %get3A_300 : vector<1x16xf32> to vector<16xf32>
        %add3A_302 = arith.addf %add3A_295, %get3A_301 : vector<16xf32>
        %add3A_303 = arith.constant 224 : i32
        %add3A_304 = arith.addi %add3A_303, %scan3A_256 : i32
        %get3A_305 = arith.index_cast %add3A_304 : i32 to index
        %get3A_306 = arith.constant 0 : index
        %get3A_307 = tpu.vector_load %arg9[%get3A_305, %get3A_306] {strides = array<i32>} : memref<320x128xf32, #tpu.memory_space<vmem>>, vector<1x16xf32>,
        %get3A_308 = vector.shape_cast %get3A_307 : vector<1x16xf32> to vector<16xf32>
        %add3A_309 = arith.addf %add3A_302, %get3A_308 : vector<16xf32>
        %add3A_310 = arith.constant 256 : i32
        %add3A_311 = arith.addi %add3A_310, %scan3A_256 : i32
        %get3A_312 = arith.index_cast %add3A_311 : i32 to index
        %get3A_313 = arith.constant 0 : index
        %get3A_314 = tpu.vector_load %arg9[%get3A_312, %get3A_313] {strides = array<i32>} : memref<320x128xf32, #tpu.memory_space<vmem>>, vector<1x16xf32>,
        %get3A_315 = vector.shape_cast %get3A_314 : vector<1x16xf32> to vector<16xf32>
        %add3A_316 = arith.addf %add3A_309, %get3A_315 : vector<16xf32>
        %add3A_317 = arith.constant 288 : i32
        %add3A_318 = arith.addi %add3A_317, %scan3A_256 : i32
        %get3A_319 = arith.index_cast %add3A_318 : i32 to index
        %get3A_320 = arith.constant 0 : index
        %get3A_321 = tpu.vector_load %arg9[%get3A_319, %get3A_320] {strides = array<i32>} : memref<320x128xf32, #tpu.memory_space<vmem>>, vector<1x16xf32>,
        %get3A_322 = vector.shape_cast %get3A_321 : vector<1x16xf32> to vector<16xf32>
        %add3A_323 = arith.addf %add3A_316, %get3A_322 : vector<16xf32>
        %mul3A_324 = arith.constant 1.000000e-01 : f32
        %mul3A_325 = vector.broadcast %mul3A_324 : f32 to vector<16xf32>
        %mul3A_326 = arith.mulf %add3A_323, %mul3A_325 : vector<16xf32>
        %swap3A = arith.index_cast %scan3A_256 : i32 to index
        %swap3A_327 = arith.constant 0 : index
        %swap3A_328 = tpu.vector_load %arg11[%swap3A, %swap3A_327] {strides = array<i32>} : memref<32x128xf32, #tpu.memory_space<vmem>>, vector<1x16xf32>,
        %swap3A_329 = vector.shape_cast %swap3A_328 : vector<1x16xf32> to vector<16xf32>
        %swap3A_330 = vector.shape_cast %mul3A_326 : vector<16xf32> to vector<1x16xf32>
        tpu.vector_store %arg11[%swap3A, %swap3A_327], %swap3A_330 {strides = array<i32>} : memref<32x128xf32, #tpu.memory_space<vmem>>, vector<1x16xf32>,
        %get3A_331 = arith.index_cast %scan3A_256 : i32 to index
        %get3A_332 = arith.constant 16 : index
        %get3A_333 = tpu.vector_load %arg9[%get3A_331, %get3A_332] {strides = array<i32>} : memref<320x128xf32, #tpu.memory_space<vmem>>, vector<1x16xf32>,
        %get3A_334 = vector.shape_cast %get3A_333 : vector<1x16xf32> to vector<16xf32>
        %add3A_335 = arith.constant 32 : i32
        %add3A_336 = arith.addi %add3A_335, %scan3A_256 : i32
        %get3A_337 = arith.index_cast %add3A_336 : i32 to index
        %get3A_338 = arith.constant 16 : index
        %get3A_339 = tpu.vector_load %arg9[%get3A_337, %get3A_338] {strides = array<i32>} : memref<320x128xf32, #tpu.memory_space<vmem>>, vector<1x16xf32>,
        %get3A_340 = vector.shape_cast %get3A_339 : vector<1x16xf32> to vector<16xf32>
        %add3A_341 = arith.addf %get3A_334, %get3A_340 : vector<16xf32>
        %add3A_342 = arith.constant 64 : i32
        %add3A_343 = arith.addi %add3A_342, %scan3A_256 : i32
        %get3A_344 = arith.index_cast %add3A_343 : i32 to index
        %get3A_345 = arith.constant 16 : index
        %get3A_346 = tpu.vector_load %arg9[%get3A_344, %get3A_345] {strides = array<i32>} : memref<320x128xf32, #tpu.memory_space<vmem>>, vector<1x16xf32>,
        %get3A_347 = vector.shape_cast %get3A_346 : vector<1x16xf32> to vector<16xf32>
        %add3A_348 = arith.addf %add3A_341, %get3A_347 : vector<16xf32>
        %add3A_349 = arith.constant 96 : i32
        %add3A_350 = arith.addi %add3A_349, %scan3A_256 : i32
        %get3A_351 = arith.index_cast %add3A_350 : i32 to index
        %get3A_352 = arith.constant 16 : index
        %get3A_353 = tpu.vector_load %arg9[%get3A_351, %get3A_352] {strides = array<i32>} : memref<320x128xf32, #tpu.memory_space<vmem>>, vector<1x16xf32>,
        %get3A_354 = vector.shape_cast %get3A_353 : vector<1x16xf32> to vector<16xf32>
        %add3A_355 = arith.addf %add3A_348, %get3A_354 : vector<16xf32>
        %add3A_356 = arith.constant 128 : i32
        %add3A_357 = arith.addi %add3A_356, %scan3A_256 : i32
        %get3A_358 = arith.index_cast %add3A_357 : i32 to index
        %get3A_359 = arith.constant 16 : index
        %get3A_360 = tpu.vector_load %arg9[%get3A_358, %get3A_359] {strides = array<i32>} : memref<320x128xf32, #tpu.memory_space<vmem>>, vector<1x16xf32>,
        %get3A_361 = vector.shape_cast %get3A_360 : vector<1x16xf32> to vector<16xf32>
        %add3A_362 = arith.addf %add3A_355, %get3A_361 : vector<16xf32>
        %add3A_363 = arith.constant 160 : i32
        %add3A_364 = arith.addi %add3A_363, %scan3A_256 : i32
        %get3A_365 = arith.index_cast %add3A_364 : i32 to index
        %get3A_366 = arith.constant 16 : index
        %get3A_367 = tpu.vector_load %arg9[%get3A_365, %get3A_366] {strides = array<i32>} : memref<320x128xf32, #tpu.memory_space<vmem>>, vector<1x16xf32>,
        %get3A_368 = vector.shape_cast %get3A_367 : vector<1x16xf32> to vector<16xf32>
        %add3A_369 = arith.addf %add3A_362, %get3A_368 : vector<16xf32>
        %add3A_370 = arith.constant 192 : i32
        %add3A_371 = arith.addi %add3A_370, %scan3A_256 : i32
        %get3A_372 = arith.index_cast %add3A_371 : i32 to index
        %get3A_373 = arith.constant 16 : index
        %get3A_374 = tpu.vector_load %arg9[%get3A_372, %get3A_373] {strides = array<i32>} : memref<320x128xf32, #tpu.memory_space<vmem>>, vector<1x16xf32>,
        %get3A_375 = vector.shape_cast %get3A_374 : vector<1x16xf32> to vector<16xf32>
        %add3A_376 = arith.addf %add3A_369, %get3A_375 : vector<16xf32>
        %add3A_377 = arith.constant 224 : i32
        %add3A_378 = arith.addi %add3A_377, %scan3A_256 : i32
        %get3A_379 = arith.index_cast %add3A_378 : i32 to index
        %get3A_380 = arith.constant 16 : index
        %get3A_381 = tpu.vector_load %arg9[%get3A_379, %get3A_380] {strides = array<i32>} : memref<320x128xf32, #tpu.memory_space<vmem>>, vector<1x16xf32>,
        %get3A_382 = vector.shape_cast %get3A_381 : vector<1x16xf32> to vector<16xf32>
        %add3A_383 = arith.addf %add3A_376, %get3A_382 : vector<16xf32>
        %add3A_384 = arith.constant 256 : i32
        %add3A_385 = arith.addi %add3A_384, %scan3A_256 : i32
        %get3A_386 = arith.index_cast %add3A_385 : i32 to index
        %get3A_387 = arith.constant 16 : index
        %get3A_388 = tpu.vector_load %arg9[%get3A_386, %get3A_387] {strides = array<i32>} : memref<320x128xf32, #tpu.memory_space<vmem>>, vector<1x16xf32>,
        %get3A_389 = vector.shape_cast %get3A_388 : vector<1x16xf32> to vector<16xf32>
        %add3A_390 = arith.addf %add3A_383, %get3A_389 : vector<16xf32>
        %add3A_391 = arith.constant 288 : i32
        %add3A_392 = arith.addi %add3A_391, %scan3A_256 : i32
        %get3A_393 = arith.index_cast %add3A_392 : i32 to index
        %get3A_394 = arith.constant 16 : index
        %get3A_395 = tpu.vector_load %arg9[%get3A_393, %get3A_394] {strides = array<i32>} : memref<320x128xf32, #tpu.memory_space<vmem>>, vector<1x16xf32>,
        %get3A_396 = vector.shape_cast %get3A_395 : vector<1x16xf32> to vector<16xf32>
        %add3A_397 = arith.addf %add3A_390, %get3A_396 : vector<16xf32>
        %mul3A_398 = arith.constant 1.000000e-01 : f32
        %mul3A_399 = vector.broadcast %mul3A_398 : f32 to vector<16xf32>
        %mul3A_400 = arith.mulf %add3A_397, %mul3A_399 : vector<16xf32>
        %swap3A_401 = arith.index_cast %scan3A_256 : i32 to index
        %swap3A_402 = arith.constant 16 : index
        %swap3A_403 = tpu.vector_load %arg11[%swap3A_401, %swap3A_402] {strides = array<i32>} : memref<32x128xf32, #tpu.memory_space<vmem>>, vector<1x16xf32>,
        %swap3A_404 = vector.shape_cast %swap3A_403 : vector<1x16xf32> to vector<16xf32>
        %swap3A_405 = vector.shape_cast %mul3A_400 : vector<16xf32> to vector<1x16xf32>
        tpu.vector_store %arg11[%swap3A_401, %swap3A_402], %swap3A_405 {strides = array<i32>} : memref<32x128xf32, #tpu.memory_space<vmem>>, vector<1x16xf32>,
        %get3A_406 = arith.index_cast %scan3A_256 : i32 to index
        %get3A_407 = arith.constant 32 : index
        %get3A_408 = tpu.vector_load %arg9[%get3A_406, %get3A_407] {strides = array<i32>} : memref<320x128xf32, #tpu.memory_space<vmem>>, vector<1x16xf32>,
        %get3A_409 = vector.shape_cast %get3A_408 : vector<1x16xf32> to vector<16xf32>
        %add3A_410 = arith.constant 32 : i32
        %add3A_411 = arith.addi %add3A_410, %scan3A_256 : i32
        %get3A_412 = arith.index_cast %add3A_411 : i32 to index
        %get3A_413 = arith.constant 32 : index
        %get3A_414 = tpu.vector_load %arg9[%get3A_412, %get3A_413] {strides = array<i32>} : memref<320x128xf32, #tpu.memory_space<vmem>>, vector<1x16xf32>,
        %get3A_415 = vector.shape_cast %get3A_414 : vector<1x16xf32> to vector<16xf32>
        %add3A_416 = arith.addf %get3A_409, %get3A_415 : vector<16xf32>
        %add3A_417 = arith.constant 64 : i32
        %add3A_418 = arith.addi %add3A_417, %scan3A_256 : i32
        %get3A_419 = arith.index_cast %add3A_418 : i32 to index
        %get3A_420 = arith.constant 32 : index
        %get3A_421 = tpu.vector_load %arg9[%get3A_419, %get3A_420] {strides = array<i32>} : memref<320x128xf32, #tpu.memory_space<vmem>>, vector<1x16xf32>,
        %get3A_422 = vector.shape_cast %get3A_421 : vector<1x16xf32> to vector<16xf32>
        %add3A_423 = arith.addf %add3A_416, %get3A_422 : vector<16xf32>
        %add3A_424 = arith.constant 96 : i32
        %add3A_425 = arith.addi %add3A_424, %scan3A_256 : i32
        %get3A_426 = arith.index_cast %add3A_425 : i32 to index
        %get3A_427 = arith.constant 32 : index
        %get3A_428 = tpu.vector_load %arg9[%get3A_426, %get3A_427] {strides = array<i32>} : memref<320x128xf32, #tpu.memory_space<vmem>>, vector<1x16xf32>,
        %get3A_429 = vector.shape_cast %get3A_428 : vector<1x16xf32> to vector<16xf32>
        %add3A_430 = arith.addf %add3A_423, %get3A_429 : vector<16xf32>
        %add3A_431 = arith.constant 128 : i32
        %add3A_432 = arith.addi %add3A_431, %scan3A_256 : i32
        %get3A_433 = arith.index_cast %add3A_432 : i32 to index
        %get3A_434 = arith.constant 32 : index
        %get3A_435 = tpu.vector_load %arg9[%get3A_433, %get3A_434] {strides = array<i32>} : memref<320x128xf32, #tpu.memory_space<vmem>>, vector<1x16xf32>,
        %get3A_436 = vector.shape_cast %get3A_435 : vector<1x16xf32> to vector<16xf32>
        %add3A_437 = arith.addf %add3A_430, %get3A_436 : vector<16xf32>
        %add3A_438 = arith.constant 160 : i32
        %add3A_439 = arith.addi %add3A_438, %scan3A_256 : i32
        %get3A_440 = arith.index_cast %add3A_439 : i32 to index
        %get3A_441 = arith.constant 32 : index
        %get3A_442 = tpu.vector_load %arg9[%get3A_440, %get3A_441] {strides = array<i32>} : memref<320x128xf32, #tpu.memory_space<vmem>>, vector<1x16xf32>,
        %get3A_443 = vector.shape_cast %get3A_442 : vector<1x16xf32> to vector<16xf32>
        %add3A_444 = arith.addf %add3A_437, %get3A_443 : vector<16xf32>
        %add3A_445 = arith.constant 192 : i32
        %add3A_446 = arith.addi %add3A_445, %scan3A_256 : i32
        %get3A_447 = arith.index_cast %add3A_446 : i32 to index
        %get3A_448 = arith.constant 32 : index
        %get3A_449 = tpu.vector_load %arg9[%get3A_447, %get3A_448] {strides = array<i32>} : memref<320x128xf32, #tpu.memory_space<vmem>>, vector<1x16xf32>,
        %get3A_450 = vector.shape_cast %get3A_449 : vector<1x16xf32> to vector<16xf32>
        %add3A_451 = arith.addf %add3A_444, %get3A_450 : vector<16xf32>
        %add3A_452 = arith.constant 224 : i32
        %add3A_453 = arith.addi %add3A_452, %scan3A_256 : i32
        %get3A_454 = arith.index_cast %add3A_453 : i32 to index
        %get3A_455 = arith.constant 32 : index
        %get3A_456 = tpu.vector_load %arg9[%get3A_454, %get3A_455] {strides = array<i32>} : memref<320x128xf32, #tpu.memory_space<vmem>>, vector<1x16xf32>,
        %get3A_457 = vector.shape_cast %get3A_456 : vector<1x16xf32> to vector<16xf32>
        %add3A_458 = arith.addf %add3A_451, %get3A_457 : vector<16xf32>
        %add3A_459 = arith.constant 256 : i32
        %add3A_460 = arith.addi %add3A_459, %scan3A_256 : i32
        %get3A_461 = arith.index_cast %add3A_460 : i32 to index
        %get3A_462 = arith.constant 32 : index
        %get3A_463 = tpu.vector_load %arg9[%get3A_461, %get3A_462] {strides = array<i32>} : memref<320x128xf32, #tpu.memory_space<vmem>>, vector<1x16xf32>,
        %get3A_464 = vector.shape_cast %get3A_463 : vector<1x16xf32> to vector<16xf32>
        %add3A_465 = arith.addf %add3A_458, %get3A_464 : vector<16xf32>
        %add3A_466 = arith.constant 288 : i32
        %add3A_467 = arith.addi %add3A_466, %scan3A_256 : i32
        %get3A_468 = arith.index_cast %add3A_467 : i32 to index
        %get3A_469 = arith.constant 32 : index
        %get3A_470 = tpu.vector_load %arg9[%get3A_468, %get3A_469] {strides = array<i32>} : memref<320x128xf32, #tpu.memory_space<vmem>>, vector<1x16xf32>,
        %get3A_471 = vector.shape_cast %get3A_470 : vector<1x16xf32> to vector<16xf32>
        %add3A_472 = arith.addf %add3A_465, %get3A_471 : vector<16xf32>
        %mul3A_473 = arith.constant 1.000000e-01 : f32
        %mul3A_474 = vector.broadcast %mul3A_473 : f32 to vector<16xf32>
        %mul3A_475 = arith.mulf %add3A_472, %mul3A_474 : vector<16xf32>
        %swap3A_476 = arith.index_cast %scan3A_256 : i32 to index
        %swap3A_477 = arith.constant 32 : index
        %swap3A_478 = tpu.vector_load %arg11[%swap3A_476, %swap3A_477] {strides = array<i32>} : memref<32x128xf32, #tpu.memory_space<vmem>>, vector<1x16xf32>,
        %swap3A_479 = vector.shape_cast %swap3A_478 : vector<1x16xf32> to vector<16xf32>
        %swap3A_480 = vector.shape_cast %mul3A_475 : vector<16xf32> to vector<1x16xf32>
        tpu.vector_store %arg11[%swap3A_476, %swap3A_477], %swap3A_480 {strides = array<i32>} : memref<32x128xf32, #tpu.memory_space<vmem>>, vector<1x16xf32>,
        %get3A_481 = arith.index_cast %scan3A_256 : i32 to index
        %get3A_482 = arith.constant 48 : index
        %get3A_483 = tpu.vector_load %arg9[%get3A_481, %get3A_482] {strides = array<i32>} : memref<320x128xf32, #tpu.memory_space<vmem>>, vector<1x16xf32>,
        %get3A_484 = vector.shape_cast %get3A_483 : vector<1x16xf32> to vector<16xf32>
        %add3A_485 = arith.constant 32 : i32
        %add3A_486 = arith.addi %add3A_485, %scan3A_256 : i32
        %get3A_487 = arith.index_cast %add3A_486 : i32 to index
        %get3A_488 = arith.constant 48 : index
        %get3A_489 = tpu.vector_load %arg9[%get3A_487, %get3A_488] {strides = array<i32>} : memref<320x128xf32, #tpu.memory_space<vmem>>, vector<1x16xf32>,
        %get3A_490 = vector.shape_cast %get3A_489 : vector<1x16xf32> to vector<16xf32>
        %add3A_491 = arith.addf %get3A_484, %get3A_490 : vector<16xf32>
        %add3A_492 = arith.constant 64 : i32
        %add3A_493 = arith.addi %add3A_492, %scan3A_256 : i32
        %get3A_494 = arith.index_cast %add3A_493 : i32 to index
        %get3A_495 = arith.constant 48 : index
        %get3A_496 = tpu.vector_load %arg9[%get3A_494, %get3A_495] {strides = array<i32>} : memref<320x128xf32, #tpu.memory_space<vmem>>, vector<1x16xf32>,
        %get3A_497 = vector.shape_cast %get3A_496 : vector<1x16xf32> to vector<16xf32>
        %add3A_498 = arith.addf %add3A_491, %get3A_497 : vector<16xf32>
        %add3A_499 = arith.constant 96 : i32
        %add3A_500 = arith.addi %add3A_499, %scan3A_256 : i32
        %get3A_501 = arith.index_cast %add3A_500 : i32 to index
        %get3A_502 = arith.constant 48 : index
        %get3A_503 = tpu.vector_load %arg9[%get3A_501, %get3A_502] {strides = array<i32>} : memref<320x128xf32, #tpu.memory_space<vmem>>, vector<1x16xf32>,
        %get3A_504 = vector.shape_cast %get3A_503 : vector<1x16xf32> to vector<16xf32>
        %add3A_505 = arith.addf %add3A_498, %get3A_504 : vector<16xf32>
        %add3A_506 = arith.constant 128 : i32
        %add3A_507 = arith.addi %add3A_506, %scan3A_256 : i32
        %get3A_508 = arith.index_cast %add3A_507 : i32 to index
        %get3A_509 = arith.constant 48 : index
        %get3A_510 = tpu.vector_load %arg9[%get3A_508, %get3A_509] {strides = array<i32>} : memref<320x128xf32, #tpu.memory_space<vmem>>, vector<1x16xf32>,
        %get3A_511 = vector.shape_cast %get3A_510 : vector<1x16xf32> to vector<16xf32>
        %add3A_512 = arith.addf %add3A_505, %get3A_511 : vector<16xf32>
        %add3A_513 = arith.constant 160 : i32
        %add3A_514 = arith.addi %add3A_513, %scan3A_256 : i32
        %get3A_515 = arith.index_cast %add3A_514 : i32 to index
        %get3A_516 = arith.constant 48 : index
        %get3A_517 = tpu.vector_load %arg9[%get3A_515, %get3A_516] {strides = array<i32>} : memref<320x128xf32, #tpu.memory_space<vmem>>, vector<1x16xf32>,
        %get3A_518 = vector.shape_cast %get3A_517 : vector<1x16xf32> to vector<16xf32>
        %add3A_519 = arith.addf %add3A_512, %get3A_518 : vector<16xf32>
        %add3A_520 = arith.constant 192 : i32
        %add3A_521 = arith.addi %add3A_520, %scan3A_256 : i32
        %get3A_522 = arith.index_cast %add3A_521 : i32 to index
        %get3A_523 = arith.constant 48 : index
        %get3A_524 = tpu.vector_load %arg9[%get3A_522, %get3A_523] {strides = array<i32>} : memref<320x128xf32, #tpu.memory_space<vmem>>, vector<1x16xf32>,
        %get3A_525 = vector.shape_cast %get3A_524 : vector<1x16xf32> to vector<16xf32>
        %add3A_526 = arith.addf %add3A_519, %get3A_525 : vector<16xf32>
        %add3A_527 = arith.constant 224 : i32
        %add3A_528 = arith.addi %add3A_527, %scan3A_256 : i32
        %get3A_529 = arith.index_cast %add3A_528 : i32 to index
        %get3A_530 = arith.constant 48 : index
        %get3A_531 = tpu.vector_load %arg9[%get3A_529, %get3A_530] {strides = array<i32>} : memref<320x128xf32, #tpu.memory_space<vmem>>, vector<1x16xf32>,
        %get3A_532 = vector.shape_cast %get3A_531 : vector<1x16xf32> to vector<16xf32>
        %add3A_533 = arith.addf %add3A_526, %get3A_532 : vector<16xf32>
        %add3A_534 = arith.constant 256 : i32
        %add3A_535 = arith.addi %add3A_534, %scan3A_256 : i32
        %get3A_536 = arith.index_cast %add3A_535 : i32 to index
        %get3A_537 = arith.constant 48 : index
        %get3A_538 = tpu.vector_load %arg9[%get3A_536, %get3A_537] {strides = array<i32>} : memref<320x128xf32, #tpu.memory_space<vmem>>, vector<1x16xf32>,
        %get3A_539 = vector.shape_cast %get3A_538 : vector<1x16xf32> to vector<16xf32>
        %add3A_540 = arith.addf %add3A_533, %get3A_539 : vector<16xf32>
        %add3A_541 = arith.constant 288 : i32
        %add3A_542 = arith.addi %add3A_541, %scan3A_256 : i32
        %get3A_543 = arith.index_cast %add3A_542 : i32 to index
        %get3A_544 = arith.constant 48 : index
        %get3A_545 = tpu.vector_load %arg9[%get3A_543, %get3A_544] {strides = array<i32>} : memref<320x128xf32, #tpu.memory_space<vmem>>, vector<1x16xf32>,
        %get3A_546 = vector.shape_cast %get3A_545 : vector<1x16xf32> to vector<16xf32>
        %add3A_547 = arith.addf %add3A_540, %get3A_546 : vector<16xf32>
        %mul3A_548 = arith.constant 1.000000e-01 : f32
        %mul3A_549 = vector.broadcast %mul3A_548 : f32 to vector<16xf32>
        %mul3A_550 = arith.mulf %add3A_547, %mul3A_549 : vector<16xf32>
        %swap3A_551 = arith.index_cast %scan3A_256 : i32 to index
        %swap3A_552 = arith.constant 48 : index
        %swap3A_553 = tpu.vector_load %arg11[%swap3A_551, %swap3A_552] {strides = array<i32>} : memref<32x128xf32, #tpu.memory_space<vmem>>, vector<1x16xf32>,
        %swap3A_554 = vector.shape_cast %swap3A_553 : vector<1x16xf32> to vector<16xf32>
        %swap3A_555 = vector.shape_cast %mul3A_550 : vector<16xf32> to vector<1x16xf32>
        tpu.vector_store %arg11[%swap3A_551, %swap3A_552], %swap3A_555 {strides = array<i32>} : memref<32x128xf32, #tpu.memory_space<vmem>>, vector<1x16xf32>,
        %get3A_556 = arith.index_cast %scan3A_256 : i32 to index
        %get3A_557 = arith.constant 64 : index
        %get3A_558 = tpu.vector_load %arg9[%get3A_556, %get3A_557] {strides = array<i32>} : memref<320x128xf32, #tpu.memory_space<vmem>>, vector<1x16xf32>,
        %get3A_559 = vector.shape_cast %get3A_558 : vector<1x16xf32> to vector<16xf32>
        %add3A_560 = arith.constant 32 : i32
        %add3A_561 = arith.addi %add3A_560, %scan3A_256 : i32
        %get3A_562 = arith.index_cast %add3A_561 : i32 to index
        %get3A_563 = arith.constant 64 : index
        %get3A_564 = tpu.vector_load %arg9[%get3A_562, %get3A_563] {strides = array<i32>} : memref<320x128xf32, #tpu.memory_space<vmem>>, vector<1x16xf32>,
        %get3A_565 = vector.shape_cast %get3A_564 : vector<1x16xf32> to vector<16xf32>
        %add3A_566 = arith.addf %get3A_559, %get3A_565 : vector<16xf32>
        %add3A_567 = arith.constant 64 : i32
        %add3A_568 = arith.addi %add3A_567, %scan3A_256 : i32
        %get3A_569 = arith.index_cast %add3A_568 : i32 to index
        %get3A_570 = arith.constant 64 : index
        %get3A_571 = tpu.vector_load %arg9[%get3A_569, %get3A_570] {strides = array<i32>} : memref<320x128xf32, #tpu.memory_space<vmem>>, vector<1x16xf32>,
        %get3A_572 = vector.shape_cast %get3A_571 : vector<1x16xf32> to vector<16xf32>
        %add3A_573 = arith.addf %add3A_566, %get3A_572 : vector<16xf32>
        %add3A_574 = arith.constant 96 : i32
        %add3A_575 = arith.addi %add3A_574, %scan3A_256 : i32
        %get3A_576 = arith.index_cast %add3A_575 : i32 to index
        %get3A_577 = arith.constant 64 : index
        %get3A_578 = tpu.vector_load %arg9[%get3A_576, %get3A_577] {strides = array<i32>} : memref<320x128xf32, #tpu.memory_space<vmem>>, vector<1x16xf32>,
        %get3A_579 = vector.shape_cast %get3A_578 : vector<1x16xf32> to vector<16xf32>
        %add3A_580 = arith.addf %add3A_573, %get3A_579 : vector<16xf32>
        %add3A_581 = arith.constant 128 : i32
        %add3A_582 = arith.addi %add3A_581, %scan3A_256 : i32
        %get3A_583 = arith.index_cast %add3A_582 : i32 to index
        %get3A_584 = arith.constant 64 : index
        %get3A_585 = tpu.vector_load %arg9[%get3A_583, %get3A_584] {strides = array<i32>} : memref<320x128xf32, #tpu.memory_space<vmem>>, vector<1x16xf32>,
        %get3A_586 = vector.shape_cast %get3A_585 : vector<1x16xf32> to vector<16xf32>
        %add3A_587 = arith.addf %add3A_580, %get3A_586 : vector<16xf32>
        %add3A_588 = arith.constant 160 : i32
        %add3A_589 = arith.addi %add3A_588, %scan3A_256 : i32
        %get3A_590 = arith.index_cast %add3A_589 : i32 to index
        %get3A_591 = arith.constant 64 : index
        %get3A_592 = tpu.vector_load %arg9[%get3A_590, %get3A_591] {strides = array<i32>} : memref<320x128xf32, #tpu.memory_space<vmem>>, vector<1x16xf32>,
        %get3A_593 = vector.shape_cast %get3A_592 : vector<1x16xf32> to vector<16xf32>
        %add3A_594 = arith.addf %add3A_587, %get3A_593 : vector<16xf32>
        %add3A_595 = arith.constant 192 : i32
        %add3A_596 = arith.addi %add3A_595, %scan3A_256 : i32
        %get3A_597 = arith.index_cast %add3A_596 : i32 to index
        %get3A_598 = arith.constant 64 : index
        %get3A_599 = tpu.vector_load %arg9[%get3A_597, %get3A_598] {strides = array<i32>} : memref<320x128xf32, #tpu.memory_space<vmem>>, vector<1x16xf32>,
        %get3A_600 = vector.shape_cast %get3A_599 : vector<1x16xf32> to vector<16xf32>
        %add3A_601 = arith.addf %add3A_594, %get3A_600 : vector<16xf32>
        %add3A_602 = arith.constant 224 : i32
        %add3A_603 = arith.addi %add3A_602, %scan3A_256 : i32
        %get3A_604 = arith.index_cast %add3A_603 : i32 to index
        %get3A_605 = arith.constant 64 : index
        %get3A_606 = tpu.vector_load %arg9[%get3A_604, %get3A_605] {strides = array<i32>} : memref<320x128xf32, #tpu.memory_space<vmem>>, vector<1x16xf32>,
        %get3A_607 = vector.shape_cast %get3A_606 : vector<1x16xf32> to vector<16xf32>
        %add3A_608 = arith.addf %add3A_601, %get3A_607 : vector<16xf32>
        %add3A_609 = arith.constant 256 : i32
        %add3A_610 = arith.addi %add3A_609, %scan3A_256 : i32
        %get3A_611 = arith.index_cast %add3A_610 : i32 to index
        %get3A_612 = arith.constant 64 : index
        %get3A_613 = tpu.vector_load %arg9[%get3A_611, %get3A_612] {strides = array<i32>} : memref<320x128xf32, #tpu.memory_space<vmem>>, vector<1x16xf32>,
        %get3A_614 = vector.shape_cast %get3A_613 : vector<1x16xf32> to vector<16xf32>
        %add3A_615 = arith.addf %add3A_608, %get3A_614 : vector<16xf32>
        %add3A_616 = arith.constant 288 : i32
        %add3A_617 = arith.addi %add3A_616, %scan3A_256 : i32
        %get3A_618 = arith.index_cast %add3A_617 : i32 to index
        %get3A_619 = arith.constant 64 : index
        %get3A_620 = tpu.vector_load %arg9[%get3A_618, %get3A_619] {strides = array<i32>} : memref<320x128xf32, #tpu.memory_space<vmem>>, vector<1x16xf32>,
        %get3A_621 = vector.shape_cast %get3A_620 : vector<1x16xf32> to vector<16xf32>
        %add3A_622 = arith.addf %add3A_615, %get3A_621 : vector<16xf32>
        %mul3A_623 = arith.constant 1.000000e-01 : f32
        %mul3A_624 = vector.broadcast %mul3A_623 : f32 to vector<16xf32>
        %mul3A_625 = arith.mulf %add3A_622, %mul3A_624 : vector<16xf32>
        %swap3A_626 = arith.index_cast %scan3A_256 : i32 to index
        %swap3A_627 = arith.constant 64 : index
        %swap3A_628 = tpu.vector_load %arg11[%swap3A_626, %swap3A_627] {strides = array<i32>} : memref<32x128xf32, #tpu.memory_space<vmem>>, vector<1x16xf32>,
        %swap3A_629 = vector.shape_cast %swap3A_628 : vector<1x16xf32> to vector<16xf32>
        %swap3A_630 = vector.shape_cast %mul3A_625 : vector<16xf32> to vector<1x16xf32>
        tpu.vector_store %arg11[%swap3A_626, %swap3A_627], %swap3A_630 {strides = array<i32>} : memref<32x128xf32, #tpu.memory_space<vmem>>, vector<1x16xf32>,
        %get3A_631 = arith.index_cast %scan3A_256 : i32 to index
        %get3A_632 = arith.constant 80 : index
        %get3A_633 = tpu.vector_load %arg9[%get3A_631, %get3A_632] {strides = array<i32>} : memref<320x128xf32, #tpu.memory_space<vmem>>, vector<1x16xf32>,
        %get3A_634 = vector.shape_cast %get3A_633 : vector<1x16xf32> to vector<16xf32>
        %add3A_635 = arith.constant 32 : i32
        %add3A_636 = arith.addi %add3A_635, %scan3A_256 : i32
        %get3A_637 = arith.index_cast %add3A_636 : i32 to index
        %get3A_638 = arith.constant 80 : index
        %get3A_639 = tpu.vector_load %arg9[%get3A_637, %get3A_638] {strides = array<i32>} : memref<320x128xf32, #tpu.memory_space<vmem>>, vector<1x16xf32>,
        %get3A_640 = vector.shape_cast %get3A_639 : vector<1x16xf32> to vector<16xf32>
        %add3A_641 = arith.addf %get3A_634, %get3A_640 : vector<16xf32>
        %add3A_642 = arith.constant 64 : i32
        %add3A_643 = arith.addi %add3A_642, %scan3A_256 : i32
        %get3A_644 = arith.index_cast %add3A_643 : i32 to index
        %get3A_645 = arith.constant 80 : index
        %get3A_646 = tpu.vector_load %arg9[%get3A_644, %get3A_645] {strides = array<i32>} : memref<320x128xf32, #tpu.memory_space<vmem>>, vector<1x16xf32>,
        %get3A_647 = vector.shape_cast %get3A_646 : vector<1x16xf32> to vector<16xf32>
        %add3A_648 = arith.addf %add3A_641, %get3A_647 : vector<16xf32>
        %add3A_649 = arith.constant 96 : i32
        %add3A_650 = arith.addi %add3A_649, %scan3A_256 : i32
        %get3A_651 = arith.index_cast %add3A_650 : i32 to index
        %get3A_652 = arith.constant 80 : index
        %get3A_653 = tpu.vector_load %arg9[%get3A_651, %get3A_652] {strides = array<i32>} : memref<320x128xf32, #tpu.memory_space<vmem>>, vector<1x16xf32>,
        %get3A_654 = vector.shape_cast %get3A_653 : vector<1x16xf32> to vector<16xf32>
        %add3A_655 = arith.addf %add3A_648, %get3A_654 : vector<16xf32>
        %add3A_656 = arith.constant 128 : i32
        %add3A_657 = arith.addi %add3A_656, %scan3A_256 : i32
        %get3A_658 = arith.index_cast %add3A_657 : i32 to index
        %get3A_659 = arith.constant 80 : index
        %get3A_660 = tpu.vector_load %arg9[%get3A_658, %get3A_659] {strides = array<i32>} : memref<320x128xf32, #tpu.memory_space<vmem>>, vector<1x16xf32>,
        %get3A_661 = vector.shape_cast %get3A_660 : vector<1x16xf32> to vector<16xf32>
        %add3A_662 = arith.addf %add3A_655, %get3A_661 : vector<16xf32>
        %add3A_663 = arith.constant 160 : i32
        %add3A_664 = arith.addi %add3A_663, %scan3A_256 : i32
        %get3A_665 = arith.index_cast %add3A_664 : i32 to index
        %get3A_666 = arith.constant 80 : index
        %get3A_667 = tpu.vector_load %arg9[%get3A_665, %get3A_666] {strides = array<i32>} : memref<320x128xf32, #tpu.memory_space<vmem>>, vector<1x16xf32>,
        %get3A_668 = vector.shape_cast %get3A_667 : vector<1x16xf32> to vector<16xf32>
        %add3A_669 = arith.addf %add3A_662, %get3A_668 : vector<16xf32>
        %add3A_670 = arith.constant 192 : i32
        %add3A_671 = arith.addi %add3A_670, %scan3A_256 : i32
        %get3A_672 = arith.index_cast %add3A_671 : i32 to index
        %get3A_673 = arith.constant 80 : index
        %get3A_674 = tpu.vector_load %arg9[%get3A_672, %get3A_673] {strides = array<i32>} : memref<320x128xf32, #tpu.memory_space<vmem>>, vector<1x16xf32>,
        %get3A_675 = vector.shape_cast %get3A_674 : vector<1x16xf32> to vector<16xf32>
        %add3A_676 = arith.addf %add3A_669, %get3A_675 : vector<16xf32>
        %add3A_677 = arith.constant 224 : i32
        %add3A_678 = arith.addi %add3A_677, %scan3A_256 : i32
        %get3A_679 = arith.index_cast %add3A_678 : i32 to index
        %get3A_680 = arith.constant 80 : index
        %get3A_681 = tpu.vector_load %arg9[%get3A_679, %get3A_680] {strides = array<i32>} : memref<320x128xf32, #tpu.memory_space<vmem>>, vector<1x16xf32>,
        %get3A_682 = vector.shape_cast %get3A_681 : vector<1x16xf32> to vector<16xf32>
        %add3A_683 = arith.addf %add3A_676, %get3A_682 : vector<16xf32>
        %add3A_684 = arith.constant 256 : i32
        %add3A_685 = arith.addi %add3A_684, %scan3A_256 : i32
        %get3A_686 = arith.index_cast %add3A_685 : i32 to index
        %get3A_687 = arith.constant 80 : index
        %get3A_688 = tpu.vector_load %arg9[%get3A_686, %get3A_687] {strides = array<i32>} : memref<320x128xf32, #tpu.memory_space<vmem>>, vector<1x16xf32>,
        %get3A_689 = vector.shape_cast %get3A_688 : vector<1x16xf32> to vector<16xf32>
        %add3A_690 = arith.addf %add3A_683, %get3A_689 : vector<16xf32>
        %add3A_691 = arith.constant 288 : i32
        %add3A_692 = arith.addi %add3A_691, %scan3A_256 : i32
        %get3A_693 = arith.index_cast %add3A_692 : i32 to index
        %get3A_694 = arith.constant 80 : index
        %get3A_695 = tpu.vector_load %arg9[%get3A_693, %get3A_694] {strides = array<i32>} : memref<320x128xf32, #tpu.memory_space<vmem>>, vector<1x16xf32>,
        %get3A_696 = vector.shape_cast %get3A_695 : vector<1x16xf32> to vector<16xf32>
        %add3A_697 = arith.addf %add3A_690, %get3A_696 : vector<16xf32>
        %mul3A_698 = arith.constant 1.000000e-01 : f32
        %mul3A_699 = vector.broadcast %mul3A_698 : f32 to vector<16xf32>
        %mul3A_700 = arith.mulf %add3A_697, %mul3A_699 : vector<16xf32>
        %swap3A_701 = arith.index_cast %scan3A_256 : i32 to index
        %swap3A_702 = arith.constant 80 : index
        %swap3A_703 = tpu.vector_load %arg11[%swap3A_701, %swap3A_702] {strides = array<i32>} : memref<32x128xf32, #tpu.memory_space<vmem>>, vector<1x16xf32>,
        %swap3A_704 = vector.shape_cast %swap3A_703 : vector<1x16xf32> to vector<16xf32>
        %swap3A_705 = vector.shape_cast %mul3A_700 : vector<16xf32> to vector<1x16xf32>
        tpu.vector_store %arg11[%swap3A_701, %swap3A_702], %swap3A_705 {strides = array<i32>} : memref<32x128xf32, #tpu.memory_space<vmem>>, vector<1x16xf32>,
        %get3A_706 = arith.index_cast %scan3A_256 : i32 to index
        %get3A_707 = arith.constant 96 : index
        %get3A_708 = tpu.vector_load %arg9[%get3A_706, %get3A_707] {strides = array<i32>} : memref<320x128xf32, #tpu.memory_space<vmem>>, vector<1x16xf32>,
        %get3A_709 = vector.shape_cast %get3A_708 : vector<1x16xf32> to vector<16xf32>
        %add3A_710 = arith.constant 32 : i32
        %add3A_711 = arith.addi %add3A_710, %scan3A_256 : i32
        %get3A_712 = arith.index_cast %add3A_711 : i32 to index
        %get3A_713 = arith.constant 96 : index
        %get3A_714 = tpu.vector_load %arg9[%get3A_712, %get3A_713] {strides = array<i32>} : memref<320x128xf32, #tpu.memory_space<vmem>>, vector<1x16xf32>,
        %get3A_715 = vector.shape_cast %get3A_714 : vector<1x16xf32> to vector<16xf32>
        %add3A_716 = arith.addf %get3A_709, %get3A_715 : vector<16xf32>
        %add3A_717 = arith.constant 64 : i32
        %add3A_718 = arith.addi %add3A_717, %scan3A_256 : i32
        %get3A_719 = arith.index_cast %add3A_718 : i32 to index
        %get3A_720 = arith.constant 96 : index
        %get3A_721 = tpu.vector_load %arg9[%get3A_719, %get3A_720] {strides = array<i32>} : memref<320x128xf32, #tpu.memory_space<vmem>>, vector<1x16xf32>,
        %get3A_722 = vector.shape_cast %get3A_721 : vector<1x16xf32> to vector<16xf32>
        %add3A_723 = arith.addf %add3A_716, %get3A_722 : vector<16xf32>
        %add3A_724 = arith.constant 96 : i32
        %add3A_725 = arith.addi %add3A_724, %scan3A_256 : i32
        %get3A_726 = arith.index_cast %add3A_725 : i32 to index
        %get3A_727 = arith.constant 96 : index
        %get3A_728 = tpu.vector_load %arg9[%get3A_726, %get3A_727] {strides = array<i32>} : memref<320x128xf32, #tpu.memory_space<vmem>>, vector<1x16xf32>,
        %get3A_729 = vector.shape_cast %get3A_728 : vector<1x16xf32> to vector<16xf32>
        %add3A_730 = arith.addf %add3A_723, %get3A_729 : vector<16xf32>
        %add3A_731 = arith.constant 128 : i32
        %add3A_732 = arith.addi %add3A_731, %scan3A_256 : i32
        %get3A_733 = arith.index_cast %add3A_732 : i32 to index
        %get3A_734 = arith.constant 96 : index
        %get3A_735 = tpu.vector_load %arg9[%get3A_733, %get3A_734] {strides = array<i32>} : memref<320x128xf32, #tpu.memory_space<vmem>>, vector<1x16xf32>,
        %get3A_736 = vector.shape_cast %get3A_735 : vector<1x16xf32> to vector<16xf32>
        %add3A_737 = arith.addf %add3A_730, %get3A_736 : vector<16xf32>
        %add3A_738 = arith.constant 160 : i32
        %add3A_739 = arith.addi %add3A_738, %scan3A_256 : i32
        %get3A_740 = arith.index_cast %add3A_739 : i32 to index
        %get3A_741 = arith.constant 96 : index
        %get3A_742 = tpu.vector_load %arg9[%get3A_740, %get3A_741] {strides = array<i32>} : memref<320x128xf32, #tpu.memory_space<vmem>>, vector<1x16xf32>,
        %get3A_743 = vector.shape_cast %get3A_742 : vector<1x16xf32> to vector<16xf32>
        %add3A_744 = arith.addf %add3A_737, %get3A_743 : vector<16xf32>
        %add3A_745 = arith.constant 192 : i32
        %add3A_746 = arith.addi %add3A_745, %scan3A_256 : i32
        %get3A_747 = arith.index_cast %add3A_746 : i32 to index
        %get3A_748 = arith.constant 96 : index
        %get3A_749 = tpu.vector_load %arg9[%get3A_747, %get3A_748] {strides = array<i32>} : memref<320x128xf32, #tpu.memory_space<vmem>>, vector<1x16xf32>,
        %get3A_750 = vector.shape_cast %get3A_749 : vector<1x16xf32> to vector<16xf32>
        %add3A_751 = arith.addf %add3A_744, %get3A_750 : vector<16xf32>
        %add3A_752 = arith.constant 224 : i32
        %add3A_753 = arith.addi %add3A_752, %scan3A_256 : i32
        %get3A_754 = arith.index_cast %add3A_753 : i32 to index
        %get3A_755 = arith.constant 96 : index
        %get3A_756 = tpu.vector_load %arg9[%get3A_754, %get3A_755] {strides = array<i32>} : memref<320x128xf32, #tpu.memory_space<vmem>>, vector<1x16xf32>,
        %get3A_757 = vector.shape_cast %get3A_756 : vector<1x16xf32> to vector<16xf32>
        %add3A_758 = arith.addf %add3A_751, %get3A_757 : vector<16xf32>
        %add3A_759 = arith.constant 256 : i32
        %add3A_760 = arith.addi %add3A_759, %scan3A_256 : i32
        %get3A_761 = arith.index_cast %add3A_760 : i32 to index
        %get3A_762 = arith.constant 96 : index
        %get3A_763 = tpu.vector_load %arg9[%get3A_761, %get3A_762] {strides = array<i32>} : memref<320x128xf32, #tpu.memory_space<vmem>>, vector<1x16xf32>,
        %get3A_764 = vector.shape_cast %get3A_763 : vector<1x16xf32> to vector<16xf32>
        %add3A_765 = arith.addf %add3A_758, %get3A_764 : vector<16xf32>
        %add3A_766 = arith.constant 288 : i32
        %add3A_767 = arith.addi %add3A_766, %scan3A_256 : i32
        %get3A_768 = arith.index_cast %add3A_767 : i32 to index
        %get3A_769 = arith.constant 96 : index
        %get3A_770 = tpu.vector_load %arg9[%get3A_768, %get3A_769] {strides = array<i32>} : memref<320x128xf32, #tpu.memory_space<vmem>>, vector<1x16xf32>,
        %get3A_771 = vector.shape_cast %get3A_770 : vector<1x16xf32> to vector<16xf32>
        %add3A_772 = arith.addf %add3A_765, %get3A_771 : vector<16xf32>
        %mul3A_773 = arith.constant 1.000000e-01 : f32
        %mul3A_774 = vector.broadcast %mul3A_773 : f32 to vector<16xf32>
        %mul3A_775 = arith.mulf %add3A_772, %mul3A_774 : vector<16xf32>
        %swap3A_776 = arith.index_cast %scan3A_256 : i32 to index
        %swap3A_777 = arith.constant 96 : index
        %swap3A_778 = tpu.vector_load %arg11[%swap3A_776, %swap3A_777] {strides = array<i32>} : memref<32x128xf32, #tpu.memory_space<vmem>>, vector<1x16xf32>,
        %swap3A_779 = vector.shape_cast %swap3A_778 : vector<1x16xf32> to vector<16xf32>
        %swap3A_780 = vector.shape_cast %mul3A_775 : vector<16xf32> to vector<1x16xf32>
        tpu.vector_store %arg11[%swap3A_776, %swap3A_777], %swap3A_780 {strides = array<i32>} : memref<32x128xf32, #tpu.memory_space<vmem>>, vector<1x16xf32>,
        %get3A_781 = arith.index_cast %scan3A_256 : i32 to index
        %get3A_782 = arith.constant 112 : index
        %get3A_783 = tpu.vector_load %arg9[%get3A_781, %get3A_782] {strides = array<i32>} : memref<320x128xf32, #tpu.memory_space<vmem>>, vector<1x16xf32>,
        %get3A_784 = vector.shape_cast %get3A_783 : vector<1x16xf32> to vector<16xf32>
        %add3A_785 = arith.constant 32 : i32
        %add3A_786 = arith.addi %add3A_785, %scan3A_256 : i32
        %get3A_787 = arith.index_cast %add3A_786 : i32 to index
        %get3A_788 = arith.constant 112 : index
        %get3A_789 = tpu.vector_load %arg9[%get3A_787, %get3A_788] {strides = array<i32>} : memref<320x128xf32, #tpu.memory_space<vmem>>, vector<1x16xf32>,
        %get3A_790 = vector.shape_cast %get3A_789 : vector<1x16xf32> to vector<16xf32>
        %add3A_791 = arith.addf %get3A_784, %get3A_790 : vector<16xf32>
        %add3A_792 = arith.constant 64 : i32
        %add3A_793 = arith.addi %add3A_792, %scan3A_256 : i32
        %get3A_794 = arith.index_cast %add3A_793 : i32 to index
        %get3A_795 = arith.constant 112 : index
        %get3A_796 = tpu.vector_load %arg9[%get3A_794, %get3A_795] {strides = array<i32>} : memref<320x128xf32, #tpu.memory_space<vmem>>, vector<1x16xf32>,
        %get3A_797 = vector.shape_cast %get3A_796 : vector<1x16xf32> to vector<16xf32>
        %add3A_798 = arith.addf %add3A_791, %get3A_797 : vector<16xf32>
        %add3A_799 = arith.constant 96 : i32
        %add3A_800 = arith.addi %add3A_799, %scan3A_256 : i32
        %get3A_801 = arith.index_cast %add3A_800 : i32 to index
        %get3A_802 = arith.constant 112 : index
        %get3A_803 = tpu.vector_load %arg9[%get3A_801, %get3A_802] {strides = array<i32>} : memref<320x128xf32, #tpu.memory_space<vmem>>, vector<1x16xf32>,
        %get3A_804 = vector.shape_cast %get3A_803 : vector<1x16xf32> to vector<16xf32>
        %add3A_805 = arith.addf %add3A_798, %get3A_804 : vector<16xf32>
        %add3A_806 = arith.constant 128 : i32
        %add3A_807 = arith.addi %add3A_806, %scan3A_256 : i32
        %get3A_808 = arith.index_cast %add3A_807 : i32 to index
        %get3A_809 = arith.constant 112 : index
        %get3A_810 = tpu.vector_load %arg9[%get3A_808, %get3A_809] {strides = array<i32>} : memref<320x128xf32, #tpu.memory_space<vmem>>, vector<1x16xf32>,
        %get3A_811 = vector.shape_cast %get3A_810 : vector<1x16xf32> to vector<16xf32>
        %add3A_812 = arith.addf %add3A_805, %get3A_811 : vector<16xf32>
        %add3A_813 = arith.constant 160 : i32
        %add3A_814 = arith.addi %add3A_813, %scan3A_256 : i32
        %get3A_815 = arith.index_cast %add3A_814 : i32 to index
        %get3A_816 = arith.constant 112 : index
        %get3A_817 = tpu.vector_load %arg9[%get3A_815, %get3A_816] {strides = array<i32>} : memref<320x128xf32, #tpu.memory_space<vmem>>, vector<1x16xf32>,
        %get3A_818 = vector.shape_cast %get3A_817 : vector<1x16xf32> to vector<16xf32>
        %add3A_819 = arith.addf %add3A_812, %get3A_818 : vector<16xf32>
        %add3A_820 = arith.constant 192 : i32
        %add3A_821 = arith.addi %add3A_820, %scan3A_256 : i32
        %get3A_822 = arith.index_cast %add3A_821 : i32 to index
        %get3A_823 = arith.constant 112 : index
        %get3A_824 = tpu.vector_load %arg9[%get3A_822, %get3A_823] {strides = array<i32>} : memref<320x128xf32, #tpu.memory_space<vmem>>, vector<1x16xf32>,
        %get3A_825 = vector.shape_cast %get3A_824 : vector<1x16xf32> to vector<16xf32>
        %add3A_826 = arith.addf %add3A_819, %get3A_825 : vector<16xf32>
        %add3A_827 = arith.constant 224 : i32
        %add3A_828 = arith.addi %add3A_827, %scan3A_256 : i32
        %get3A_829 = arith.index_cast %add3A_828 : i32 to index
        %get3A_830 = arith.constant 112 : index
        %get3A_831 = tpu.vector_load %arg9[%get3A_829, %get3A_830] {strides = array<i32>} : memref<320x128xf32, #tpu.memory_space<vmem>>, vector<1x16xf32>,
        %get3A_832 = vector.shape_cast %get3A_831 : vector<1x16xf32> to vector<16xf32>
        %add3A_833 = arith.addf %add3A_826, %get3A_832 : vector<16xf32>
        %add3A_834 = arith.constant 256 : i32
        %add3A_835 = arith.addi %add3A_834, %scan3A_256 : i32
        %get3A_836 = arith.index_cast %add3A_835 : i32 to index
        %get3A_837 = arith.constant 112 : index
        %get3A_838 = tpu.vector_load %arg9[%get3A_836, %get3A_837] {strides = array<i32>} : memref<320x128xf32, #tpu.memory_space<vmem>>, vector<1x16xf32>,
        %get3A_839 = vector.shape_cast %get3A_838 : vector<1x16xf32> to vector<16xf32>
        %add3A_840 = arith.addf %add3A_833, %get3A_839 : vector<16xf32>
        %add3A_841 = arith.constant 288 : i32
        %add3A_842 = arith.addi %add3A_841, %scan3A_256 : i32
        %get3A_843 = arith.index_cast %add3A_842 : i32 to index
        %get3A_844 = arith.constant 112 : index
        %get3A_845 = tpu.vector_load %arg9[%get3A_843, %get3A_844] {strides = array<i32>} : memref<320x128xf32, #tpu.memory_space<vmem>>, vector<1x16xf32>,
        %get3A_846 = vector.shape_cast %get3A_845 : vector<1x16xf32> to vector<16xf32>
        %add3A_847 = arith.addf %add3A_840, %get3A_846 : vector<16xf32>
        %mul3A_848 = arith.constant 1.000000e-01 : f32
        %mul3A_849 = vector.broadcast %mul3A_848 : f32 to vector<16xf32>
        %mul3A_850 = arith.mulf %add3A_847, %mul3A_849 : vector<16xf32>
        %swap3A_851 = arith.index_cast %scan3A_256 : i32 to index
        %swap3A_852 = arith.constant 112 : index
        %swap3A_853 = tpu.vector_load %arg11[%swap3A_851, %swap3A_852] {strides = array<i32>} : memref<32x128xf32, #tpu.memory_space<vmem>>, vector<1x16xf32>,
        %swap3A_854 = vector.shape_cast %swap3A_853 : vector<1x16xf32> to vector<16xf32>
        %swap3A_855 = vector.shape_cast %mul3A_850 : vector<16xf32> to vector<1x16xf32>
        tpu.vector_store %arg11[%swap3A_851, %swap3A_852], %swap3A_855 {strides = array<i32>} : memref<32x128xf32, #tpu.memory_space<vmem>>, vector<1x16xf32>,
        %scan3A_856 = arith.constant 0 : i32
        scf.yield %scan3A_856 : i32
      }
      %scan3A_191 = arith.constant 32 : i32
      %mul3A_192 = arith.constant 32 : i32
      %mul3A_193 = arith.muli %mul3A_179, %mul3A_192 : i32
      %add3A_194 = arith.addi %mul3A_2, %mul3A_193 : i32
      %dma_start3A_195 = arith.constant 128 : i32
      %dma_start3A_196 = tpu.memref_slice %arg4[%add3A_194, %dma_start3A_195] : memref<100352x256xf32, #tpu.memory_space<hbm>> -> memref<32x128xf32, #tpu.memory_space<hbm>>
      %dma_start3A_197 = arith.constant 128 : i32
      %dma_start3A_198 = tpu.memref_slice %arg4[%add3A_194, %dma_start3A_197] : memref<100352x256xf32, #tpu.memory_space<hbm>> -> memref<32x128xf32, #tpu.memory_space<hbm>>
      tpu.enqueue_dma source(%arg11 : memref<32x128xf32, #tpu.memory_space<vmem>>) target(%dma_start3A_198 : memref<32x128xf32, #tpu.memory_space<hbm>>) target_semaphore(%arg17 : memref<!tpu.dma_semaphore, #tpu.memory_space<semaphore_mem>>)
      %lt3A_199 = arith.constant 48 : i32
      %lt3A_200 = arith.cmpi slt, %scan3A_112, %lt3A_199 : i32
      %convert_element_type3A_201 = arith.extui %lt3A_200 : i1 to i32
      %cond3A_202 = arith.constant 0 : i32
      %cond3A_203 = arith.cmpi ne, %convert_element_type3A_201, %cond3A_202 : i32
      scf.if %cond3A_203 {
        %dma_wait3A_256 = arith.constant 0 : i32
        %dma_wait3A_257 = tpu.memref_slice %arg3[%dma_wait3A_256] : memref<1103872xi32, #tpu.memory_space<hbm>> -> memref<352xi32, #tpu.memory_space<hbm>>
        %dma_wait3A_258 = arith.constant 0 : i32
        %dma_wait3A_259 = tpu.memref_slice %arg3[%dma_wait3A_258] : memref<1103872xi32, #tpu.memory_space<hbm>> -> memref<352xi32, #tpu.memory_space<hbm>>
        tpu.wait_dma2 semaphore(%arg19 : memref<!tpu.dma_semaphore, #tpu.memory_space<semaphore_mem>>) src(%dma_wait3A_259 : memref<352xi32, #tpu.memory_space<hbm>>) dst(%arg5 : memref<352xi32, #tpu.memory_space<vmem>>)
        %mul3A_260 = arith.constant 2 : i32
        %mul3A_261 = arith.muli %mul3A_260, %scan3A_112 : i32
        %add3A_262 = arith.constant 2 : i32
        %add3A_263 = arith.addi %mul3A_261, %add3A_262 : i32
        %dma_wait3A_264 = arith.constant 0 : i32
        %dma_wait3A_265 = tpu.memref_slice %arg4[%mul3A_2, %dma_wait3A_264] : memref<100352x256xf32, #tpu.memory_space<hbm>> -> memref<32x128xf32, #tpu.memory_space<hbm>>
        %dma_wait3A_266 = arith.constant 0 : i32
        %dma_wait3A_267 = tpu.memref_slice %arg4[%mul3A_2, %dma_wait3A_266] : memref<100352x256xf32, #tpu.memory_space<hbm>> -> memref<32x128xf32, #tpu.memory_space<hbm>>
        tpu.wait_dma2 semaphore(%arg15 : memref<!tpu.dma_semaphore, #tpu.memory_space<semaphore_mem>>) src(%arg7 : memref<32x128xf32, #tpu.memory_space<vmem>>) dst(%dma_wait3A_267 : memref<32x128xf32, #tpu.memory_space<hbm>>)
        %dma_start3A_268 = arith.constant 0 : i32
        %dma_start3A_269 = tpu.memref_slice %arg5[%dma_start3A_268] : memref<352xi32, #tpu.memory_space<vmem>> -> memref<32xi32, #tpu.memory_space<vmem>>
        %dma_start3A_270 = arith.constant 0 : i32
        %dma_start3A_271 = arith.constant 0 : i32
        %dma_start3A_272 = tpu.memref_slice %arg2[%dma_start3A_270, %dma_start3A_271] : memref<100000x128xf32, #tpu.memory_space<hbm>> -> memref<100000x128xf32, #tpu.memory_space<hbm>>
        tpu.enqueue_indirect_dma source(%dma_start3A_272 : memref<100000x128xf32, #tpu.memory_space<hbm>>) target(%arg7 : memref<32x128xf32, #tpu.memory_space<vmem>>) offsets(%dma_start3A_269 : memref<32xi32, #tpu.memory_space<vmem>>) semaphore(%arg13 : memref<!tpu.dma_semaphore, #tpu.memory_space<semaphore_mem>>)
        %dma_start3A_273 = arith.constant 0 : i32
        %dma_start3A_274 = arith.constant 0 : i32
        %dma_start3A_275 = tpu.memref_slice %arg9[%dma_start3A_273, %dma_start3A_274] : memref<320x128xf32, #tpu.memory_space<vmem>> -> memref<128x128xf32, #tpu.memory_space<vmem>>
        %dma_start3A_276 = arith.constant 32 : i32
        %dma_start3A_277 = tpu.memref_slice %arg5[%dma_start3A_276] : memref<352xi32, #tpu.memory_space<vmem>> -> memref<128xi32, #tpu.memory_space<vmem>>
        %dma_start3A_278 = arith.constant 0 : i32
        %dma_start3A_279 = arith.constant 0 : i32
        %dma_start3A_280 = tpu.memref_slice %arg2[%dma_start3A_278, %dma_start3A_279] : memref<100000x128xf32, #tpu.memory_space<hbm>> -> memref<100000x128xf32, #tpu.memory_space<hbm>>
        tpu.enqueue_indirect_dma source(%dma_start3A_280 : memref<100000x128xf32, #tpu.memory_space<hbm>>) target(%dma_start3A_275 : memref<128x128xf32, #tpu.memory_space<vmem>>) offsets(%dma_start3A_277 : memref<128xi32, #tpu.memory_space<vmem>>) semaphore(%arg13 : memref<!tpu.dma_semaphore, #tpu.memory_space<semaphore_mem>>)
        %dma_start3A_281 = arith.constant 128 : i32
        %dma_start3A_282 = arith.constant 0 : i32
        %dma_start3A_283 = tpu.memref_slice %arg9[%dma_start3A_281, %dma_start3A_282] : memref<320x128xf32, #tpu.memory_space<vmem>> -> memref<128x128xf32, #tpu.memory_space<vmem>>
        %dma_start3A_284 = arith.constant 160 : i32
        %dma_start3A_285 = tpu.memref_slice %arg5[%dma_start3A_284] : memref<352xi32, #tpu.memory_space<vmem>> -> memref<128xi32, #tpu.memory_space<vmem>>
        %dma_start3A_286 = arith.constant 0 : i32
        %dma_start3A_287 = arith.constant 0 : i32
        %dma_start3A_288 = tpu.memref_slice %arg2[%dma_start3A_286, %dma_start3A_287] : memref<100000x128xf32, #tpu.memory_space<hbm>> -> memref<100000x128xf32, #tpu.memory_space<hbm>>
        tpu.enqueue_indirect_dma source(%dma_start3A_288 : memref<100000x128xf32, #tpu.memory_space<hbm>>) target(%dma_start3A_283 : memref<128x128xf32, #tpu.memory_space<vmem>>) offsets(%dma_start3A_285 : memref<128xi32, #tpu.memory_space<vmem>>) semaphore(%arg13 : memref<!tpu.dma_semaphore, #tpu.memory_space<semaphore_mem>>)
        %dma_start3A_289 = arith.constant 256 : i32
        %dma_start3A_290 = arith.constant 0 : i32
        %dma_start3A_291 = tpu.memref_slice %arg9[%dma_start3A_289, %dma_start3A_290] : memref<320x128xf32, #tpu.memory_space<vmem>> -> memref<64x128xf32, #tpu.memory_space<vmem>>
        %dma_start3A_292 = arith.constant 288 : i32
        %dma_start3A_293 = tpu.memref_slice %arg5[%dma_start3A_292] : memref<352xi32, #tpu.memory_space<vmem>> -> memref<64xi32, #tpu.memory_space<vmem>>
        %dma_start3A_294 = arith.constant 0 : i32
        %dma_start3A_295 = arith.constant 0 : i32
        %dma_start3A_296 = tpu.memref_slice %arg2[%dma_start3A_294, %dma_start3A_295] : memref<100000x128xf32, #tpu.memory_space<hbm>> -> memref<100000x128xf32, #tpu.memory_space<hbm>>
        tpu.enqueue_indirect_dma source(%dma_start3A_296 : memref<100000x128xf32, #tpu.memory_space<hbm>>) target(%dma_start3A_291 : memref<64x128xf32, #tpu.memory_space<vmem>>) offsets(%dma_start3A_293 : memref<64xi32, #tpu.memory_space<vmem>>) semaphore(%arg13 : memref<!tpu.dma_semaphore, #tpu.memory_space<semaphore_mem>>)
      } else {
      }
      %dma_wait3A_204 = arith.constant 0 : i32
      %dma_wait3A_205 = arith.constant 0 : i32
      %dma_wait3A_206 = tpu.memref_slice %arg2[%dma_wait3A_204, %dma_wait3A_205] : memref<100000x128xf32, #tpu.memory_space<hbm>> -> memref<32x128xf32, #tpu.memory_space<hbm>>
      %dma_wait3A_207 = arith.constant 0 : i32
      %dma_wait3A_208 = arith.constant 0 : i32
      %dma_wait3A_209 = tpu.memref_slice %arg2[%dma_wait3A_207, %dma_wait3A_208] : memref<100000x128xf32, #tpu.memory_space<hbm>> -> memref<32x128xf32, #tpu.memory_space<hbm>>
      tpu.wait_dma2 semaphore(%arg14 : memref<!tpu.dma_semaphore, #tpu.memory_space<semaphore_mem>>) src(%dma_wait3A_209 : memref<32x128xf32, #tpu.memory_space<hbm>>) dst(%arg8 : memref<32x128xf32, #tpu.memory_space<vmem>>)
      %dma_wait3A_210 = arith.constant 0 : i32
      %dma_wait3A_211 = arith.constant 0 : i32
      %dma_wait3A_212 = tpu.memref_slice %arg2[%dma_wait3A_210, %dma_wait3A_211] : memref<100000x128xf32, #tpu.memory_space<hbm>> -> memref<320x128xf32, #tpu.memory_space<hbm>>
      %dma_wait3A_213 = arith.constant 0 : i32
      %dma_wait3A_214 = arith.constant 0 : i32
      %dma_wait3A_215 = tpu.memref_slice %arg2[%dma_wait3A_213, %dma_wait3A_214] : memref<100000x128xf32, #tpu.memory_space<hbm>> -> memref<320x128xf32, #tpu.memory_space<hbm>>
      tpu.wait_dma2 semaphore(%arg14 : memref<!tpu.dma_semaphore, #tpu.memory_space<semaphore_mem>>) src(%dma_wait3A_215 : memref<320x128xf32, #tpu.memory_space<hbm>>) dst(%arg10 : memref<320x128xf32, #tpu.memory_space<vmem>>)
      %mul3A_216 = arith.constant 2 : i32
      %mul3A_217 = arith.muli %mul3A_216, %scan3A_112 : i32
      %add3A_218 = arith.constant 1 : i32
      %add3A_219 = arith.addi %mul3A_217, %add3A_218 : i32
      %mul3A_220 = arith.constant 32 : i32
      %mul3A_221 = arith.muli %add3A_219, %mul3A_220 : i32
      %add3A_222 = arith.addi %mul3A_2, %mul3A_221 : i32
      %dma_start3A_223 = arith.constant 0 : i32
      %dma_start3A_224 = tpu.memref_slice %arg4[%add3A_222, %dma_start3A_223] : memref<100352x256xf32, #tpu.memory_space<hbm>> -> memref<32x128xf32, #tpu.memory_space<hbm>>
      %dma_start3A_225 = arith.constant 0 : i32
      %dma_start3A_226 = tpu.memref_slice %arg4[%add3A_222, %dma_start3A_225] : memref<100352x256xf32, #tpu.memory_space<hbm>> -> memref<32x128xf32, #tpu.memory_space<hbm>>
      tpu.enqueue_dma source(%arg8 : memref<32x128xf32, #tpu.memory_space<vmem>>) target(%dma_start3A_226 : memref<32x128xf32, #tpu.memory_space<hbm>>) target_semaphore(%arg16 : memref<!tpu.dma_semaphore, #tpu.memory_space<semaphore_mem>>)
      %lt3A_227 = arith.constant 48 : i32
      %lt3A_228 = arith.cmpi slt, %scan3A_112, %lt3A_227 : i32
      %convert_element_type3A_229 = arith.extui %lt3A_228 : i1 to i32
      %cond3A_230 = arith.constant 0 : i32
      %cond3A_231 = arith.cmpi ne, %convert_element_type3A_229, %cond3A_230 : i32
      scf.if %cond3A_231 {
        %mul3A_256 = arith.constant 2 : i32
        %mul3A_257 = arith.muli %mul3A_256, %scan3A_112 : i32
        %add3A_258 = arith.constant 3 : i32
        %add3A_259 = arith.addi %mul3A_257, %add3A_258 : i32
        %jit3A_260 = arith.constant 32 : i32
        %div3A_261 = arith.divsi %mul3A_2, %jit3A_260 : i32
        %sign3A_262 = arith.constant 0 : i32
        %sign3A_263 = arith.cmpi sgt, %mul3A_2, %sign3A_262 : i32
        %sign3A_264 = arith.extui %sign3A_263 : i1 to i32
        %sign3A_265 = arith.constant 0 : i32
        %sign3A_266 = arith.cmpi slt, %mul3A_2, %sign3A_265 : i32
        %sign3A_267 = arith.extui %sign3A_266 : i1 to i32
        %sign3A_268 = arith.subi %sign3A_264, %sign3A_267 : i32
        %sign3A_269 = arith.constant 0 : i32
        %sign3A_270 = arith.cmpi sgt, %jit3A_260, %sign3A_269 : i32
        %sign3A_271 = arith.extui %sign3A_270 : i1 to i32
        %sign3A_272 = arith.constant 0 : i32
        %sign3A_273 = arith.cmpi slt, %jit3A_260, %sign3A_272 : i32
        %sign3A_274 = arith.extui %sign3A_273 : i1 to i32
        %sign3A_275 = arith.subi %sign3A_271, %sign3A_274 : i32
        %ne3A_276 = arith.cmpi ne, %sign3A_268, %sign3A_275 : i32
        %rem3A_277 = arith.remsi %mul3A_2, %jit3A_260 : i32
        %ne3A_278 = arith.constant 0 : i32
        %ne3A_279 = arith.cmpi ne, %rem3A_277, %ne3A_278 : i32
        %and3A_280 = arith.andi %ne3A_276, %ne3A_279 : i1
        %sub3A_281 = arith.constant 1 : i32
        %sub3A_282 = arith.subi %div3A_261, %sub3A_281 : i32
        %select_n3A_283 = arith.select %and3A_280, %sub3A_282, %div3A_261 : i32
        %add3A_284 = arith.addi %select_n3A_283, %add3A_259 : i32
        %mul3A_285 = arith.constant 11 : i32
        %mul3A_286 = arith.muli %add3A_284, %mul3A_285 : i32
        %mul3A_287 = arith.constant 32 : i32
        %mul3A_288 = arith.muli %mul3A_286, %mul3A_287 : i32
        %dma_start3A_289 = tpu.memref_slice %arg3[%mul3A_288] : memref<1103872xi32, #tpu.memory_space<hbm>> -> memref<352xi32, #tpu.memory_space<hbm>>
        %dma_start3A_290 = tpu.memref_slice %arg3[%mul3A_288] : memref<1103872xi32, #tpu.memory_space<hbm>> -> memref<352xi32, #tpu.memory_space<hbm>>
        tpu.enqueue_dma source(%dma_start3A_290 : memref<352xi32, #tpu.memory_space<hbm>>) target(%arg6 : memref<352xi32, #tpu.memory_space<vmem>>) target_semaphore(%arg20 : memref<!tpu.dma_semaphore, #tpu.memory_space<semaphore_mem>>)
      } else {
      }
      %mul3A_232 = arith.constant 2 : i32
      %mul3A_233 = arith.muli %mul3A_232, %scan3A_112 : i32
      %add3A_234 = arith.constant 1 : i32
      %add3A_235 = arith.addi %mul3A_233, %add3A_234 : i32
      %gt3A_236 = arith.constant 0 : i32
      %gt3A_237 = arith.cmpi sgt, %scan3A_112, %gt3A_236 : i32
      %convert_element_type3A_238 = arith.extui %gt3A_237 : i1 to i32
      %cond3A_239 = arith.constant 0 : i32
      %cond3A_240 = arith.cmpi ne, %convert_element_type3A_238, %cond3A_239 : i32
      scf.if %cond3A_240 {
        %dma_wait3A_256 = arith.constant 128 : i32
        %dma_wait3A_257 = tpu.memref_slice %arg4[%mul3A_2, %dma_wait3A_256] : memref<100352x256xf32, #tpu.memory_space<hbm>> -> memref<32x128xf32, #tpu.memory_space<hbm>>
        %dma_wait3A_258 = arith.constant 128 : i32
        %dma_wait3A_259 = tpu.memref_slice %arg4[%mul3A_2, %dma_wait3A_258] : memref<100352x256xf32, #tpu.memory_space<hbm>> -> memref<32x128xf32, #tpu.memory_space<hbm>>
        tpu.wait_dma2 semaphore(%arg18 : memref<!tpu.dma_semaphore, #tpu.memory_space<semaphore_mem>>) src(%arg12 : memref<32x128xf32, #tpu.memory_space<vmem>>) dst(%dma_wait3A_259 : memref<32x128xf32, #tpu.memory_space<hbm>>)
      } else {
      }
      %scan3A_241 = arith.constant 0 : i32
      %scan3A_242 = arith.constant 0 : i32
      %scan3A_243 = arith.constant 32 : i32
      %scan3A_244 = arith.addi %scan3A_242, %scan3A_243 : i32
      %scan3A_245 = arith.constant 1 : i32
      %scan3A_246 = scf.for %scan3A_256 = %scan3A_242 to %scan3A_244 step %scan3A_245 iter_args(%scan3A_257 = %scan3A_241) -> (i32)  : i32 {
        %get3A = arith.index_cast %scan3A_256 : i32 to index
        %get3A_258 = arith.constant 0 : index
        %get3A_259 = tpu.vector_load %arg10[%get3A, %get3A_258] {strides = array<i32>} : memref<320x128xf32, #tpu.memory_space<vmem>>, vector<1x16xf32>,
        %get3A_260 = vector.shape_cast %get3A_259 : vector<1x16xf32> to vector<16xf32>
        %add3A_261 = arith.constant 32 : i32
        %add3A_262 = arith.addi %add3A_261, %scan3A_256 : i32
        %get3A_263 = arith.index_cast %add3A_262 : i32 to index
        %get3A_264 = arith.constant 0 : index
        %get3A_265 = tpu.vector_load %arg10[%get3A_263, %get3A_264] {strides = array<i32>} : memref<320x128xf32, #tpu.memory_space<vmem>>, vector<1x16xf32>,
        %get3A_266 = vector.shape_cast %get3A_265 : vector<1x16xf32> to vector<16xf32>
        %add3A_267 = arith.addf %get3A_260, %get3A_266 : vector<16xf32>
        %add3A_268 = arith.constant 64 : i32
        %add3A_269 = arith.addi %add3A_268, %scan3A_256 : i32
        %get3A_270 = arith.index_cast %add3A_269 : i32 to index
        %get3A_271 = arith.constant 0 : index
        %get3A_272 = tpu.vector_load %arg10[%get3A_270, %get3A_271] {strides = array<i32>} : memref<320x128xf32, #tpu.memory_space<vmem>>, vector<1x16xf32>,
        %get3A_273 = vector.shape_cast %get3A_272 : vector<1x16xf32> to vector<16xf32>
        %add3A_274 = arith.addf %add3A_267, %get3A_273 : vector<16xf32>
        %add3A_275 = arith.constant 96 : i32
        %add3A_276 = arith.addi %add3A_275, %scan3A_256 : i32
        %get3A_277 = arith.index_cast %add3A_276 : i32 to index
        %get3A_278 = arith.constant 0 : index
        %get3A_279 = tpu.vector_load %arg10[%get3A_277, %get3A_278] {strides = array<i32>} : memref<320x128xf32, #tpu.memory_space<vmem>>, vector<1x16xf32>,
        %get3A_280 = vector.shape_cast %get3A_279 : vector<1x16xf32> to vector<16xf32>
        %add3A_281 = arith.addf %add3A_274, %get3A_280 : vector<16xf32>
        %add3A_282 = arith.constant 128 : i32
        %add3A_283 = arith.addi %add3A_282, %scan3A_256 : i32
        %get3A_284 = arith.index_cast %add3A_283 : i32 to index
        %get3A_285 = arith.constant 0 : index
        %get3A_286 = tpu.vector_load %arg10[%get3A_284, %get3A_285] {strides = array<i32>} : memref<320x128xf32, #tpu.memory_space<vmem>>, vector<1x16xf32>,
        %get3A_287 = vector.shape_cast %get3A_286 : vector<1x16xf32> to vector<16xf32>
        %add3A_288 = arith.addf %add3A_281, %get3A_287 : vector<16xf32>
        %add3A_289 = arith.constant 160 : i32
        %add3A_290 = arith.addi %add3A_289, %scan3A_256 : i32
        %get3A_291 = arith.index_cast %add3A_290 : i32 to index
        %get3A_292 = arith.constant 0 : index
        %get3A_293 = tpu.vector_load %arg10[%get3A_291, %get3A_292] {strides = array<i32>} : memref<320x128xf32, #tpu.memory_space<vmem>>, vector<1x16xf32>,
        %get3A_294 = vector.shape_cast %get3A_293 : vector<1x16xf32> to vector<16xf32>
        %add3A_295 = arith.addf %add3A_288, %get3A_294 : vector<16xf32>
        %add3A_296 = arith.constant 192 : i32
        %add3A_297 = arith.addi %add3A_296, %scan3A_256 : i32
        %get3A_298 = arith.index_cast %add3A_297 : i32 to index
        %get3A_299 = arith.constant 0 : index
        %get3A_300 = tpu.vector_load %arg10[%get3A_298, %get3A_299] {strides = array<i32>} : memref<320x128xf32, #tpu.memory_space<vmem>>, vector<1x16xf32>,
        %get3A_301 = vector.shape_cast %get3A_300 : vector<1x16xf32> to vector<16xf32>
        %add3A_302 = arith.addf %add3A_295, %get3A_301 : vector<16xf32>
        %add3A_303 = arith.constant 224 : i32
        %add3A_304 = arith.addi %add3A_303, %scan3A_256 : i32
        %get3A_305 = arith.index_cast %add3A_304 : i32 to index
        %get3A_306 = arith.constant 0 : index
        %get3A_307 = tpu.vector_load %arg10[%get3A_305, %get3A_306] {strides = array<i32>} : memref<320x128xf32, #tpu.memory_space<vmem>>, vector<1x16xf32>,
        %get3A_308 = vector.shape_cast %get3A_307 : vector<1x16xf32> to vector<16xf32>
        %add3A_309 = arith.addf %add3A_302, %get3A_308 : vector<16xf32>
        %add3A_310 = arith.constant 256 : i32
        %add3A_311 = arith.addi %add3A_310, %scan3A_256 : i32
        %get3A_312 = arith.index_cast %add3A_311 : i32 to index
        %get3A_313 = arith.constant 0 : index
        %get3A_314 = tpu.vector_load %arg10[%get3A_312, %get3A_313] {strides = array<i32>} : memref<320x128xf32, #tpu.memory_space<vmem>>, vector<1x16xf32>,
        %get3A_315 = vector.shape_cast %get3A_314 : vector<1x16xf32> to vector<16xf32>
        %add3A_316 = arith.addf %add3A_309, %get3A_315 : vector<16xf32>
        %add3A_317 = arith.constant 288 : i32
        %add3A_318 = arith.addi %add3A_317, %scan3A_256 : i32
        %get3A_319 = arith.index_cast %add3A_318 : i32 to index
        %get3A_320 = arith.constant 0 : index
        %get3A_321 = tpu.vector_load %arg10[%get3A_319, %get3A_320] {strides = array<i32>} : memref<320x128xf32, #tpu.memory_space<vmem>>, vector<1x16xf32>,
        %get3A_322 = vector.shape_cast %get3A_321 : vector<1x16xf32> to vector<16xf32>
        %add3A_323 = arith.addf %add3A_316, %get3A_322 : vector<16xf32>
        %mul3A_324 = arith.constant 1.000000e-01 : f32
        %mul3A_325 = vector.broadcast %mul3A_324 : f32 to vector<16xf32>
        %mul3A_326 = arith.mulf %add3A_323, %mul3A_325 : vector<16xf32>
        %swap3A = arith.index_cast %scan3A_256 : i32 to index
        %swap3A_327 = arith.constant 0 : index
        %swap3A_328 = tpu.vector_load %arg12[%swap3A, %swap3A_327] {strides = array<i32>} : memref<32x128xf32, #tpu.memory_space<vmem>>, vector<1x16xf32>,
        %swap3A_329 = vector.shape_cast %swap3A_328 : vector<1x16xf32> to vector<16xf32>
        %swap3A_330 = vector.shape_cast %mul3A_326 : vector<16xf32> to vector<1x16xf32>
        tpu.vector_store %arg12[%swap3A, %swap3A_327], %swap3A_330 {strides = array<i32>} : memref<32x128xf32, #tpu.memory_space<vmem>>, vector<1x16xf32>,
        %get3A_331 = arith.index_cast %scan3A_256 : i32 to index
        %get3A_332 = arith.constant 16 : index
        %get3A_333 = tpu.vector_load %arg10[%get3A_331, %get3A_332] {strides = array<i32>} : memref<320x128xf32, #tpu.memory_space<vmem>>, vector<1x16xf32>,
        %get3A_334 = vector.shape_cast %get3A_333 : vector<1x16xf32> to vector<16xf32>
        %add3A_335 = arith.constant 32 : i32
        %add3A_336 = arith.addi %add3A_335, %scan3A_256 : i32
        %get3A_337 = arith.index_cast %add3A_336 : i32 to index
        %get3A_338 = arith.constant 16 : index
        %get3A_339 = tpu.vector_load %arg10[%get3A_337, %get3A_338] {strides = array<i32>} : memref<320x128xf32, #tpu.memory_space<vmem>>, vector<1x16xf32>,
        %get3A_340 = vector.shape_cast %get3A_339 : vector<1x16xf32> to vector<16xf32>
        %add3A_341 = arith.addf %get3A_334, %get3A_340 : vector<16xf32>
        %add3A_342 = arith.constant 64 : i32
        %add3A_343 = arith.addi %add3A_342, %scan3A_256 : i32
        %get3A_344 = arith.index_cast %add3A_343 : i32 to index
        %get3A_345 = arith.constant 16 : index
        %get3A_346 = tpu.vector_load %arg10[%get3A_344, %get3A_345] {strides = array<i32>} : memref<320x128xf32, #tpu.memory_space<vmem>>, vector<1x16xf32>,
        %get3A_347 = vector.shape_cast %get3A_346 : vector<1x16xf32> to vector<16xf32>
        %add3A_348 = arith.addf %add3A_341, %get3A_347 : vector<16xf32>
        %add3A_349 = arith.constant 96 : i32
        %add3A_350 = arith.addi %add3A_349, %scan3A_256 : i32
        %get3A_351 = arith.index_cast %add3A_350 : i32 to index
        %get3A_352 = arith.constant 16 : index
        %get3A_353 = tpu.vector_load %arg10[%get3A_351, %get3A_352] {strides = array<i32>} : memref<320x128xf32, #tpu.memory_space<vmem>>, vector<1x16xf32>,
        %get3A_354 = vector.shape_cast %get3A_353 : vector<1x16xf32> to vector<16xf32>
        %add3A_355 = arith.addf %add3A_348, %get3A_354 : vector<16xf32>
        %add3A_356 = arith.constant 128 : i32
        %add3A_357 = arith.addi %add3A_356, %scan3A_256 : i32
        %get3A_358 = arith.index_cast %add3A_357 : i32 to index
        %get3A_359 = arith.constant 16 : index
        %get3A_360 = tpu.vector_load %arg10[%get3A_358, %get3A_359] {strides = array<i32>} : memref<320x128xf32, #tpu.memory_space<vmem>>, vector<1x16xf32>,
        %get3A_361 = vector.shape_cast %get3A_360 : vector<1x16xf32> to vector<16xf32>
        %add3A_362 = arith.addf %add3A_355, %get3A_361 : vector<16xf32>
        %add3A_363 = arith.constant 160 : i32
        %add3A_364 = arith.addi %add3A_363, %scan3A_256 : i32
        %get3A_365 = arith.index_cast %add3A_364 : i32 to index
        %get3A_366 = arith.constant 16 : index
        %get3A_367 = tpu.vector_load %arg10[%get3A_365, %get3A_366] {strides = array<i32>} : memref<320x128xf32, #tpu.memory_space<vmem>>, vector<1x16xf32>,
        %get3A_368 = vector.shape_cast %get3A_367 : vector<1x16xf32> to vector<16xf32>
        %add3A_369 = arith.addf %add3A_362, %get3A_368 : vector<16xf32>
        %add3A_370 = arith.constant 192 : i32
        %add3A_371 = arith.addi %add3A_370, %scan3A_256 : i32
        %get3A_372 = arith.index_cast %add3A_371 : i32 to index
        %get3A_373 = arith.constant 16 : index
        %get3A_374 = tpu.vector_load %arg10[%get3A_372, %get3A_373] {strides = array<i32>} : memref<320x128xf32, #tpu.memory_space<vmem>>, vector<1x16xf32>,
        %get3A_375 = vector.shape_cast %get3A_374 : vector<1x16xf32> to vector<16xf32>
        %add3A_376 = arith.addf %add3A_369, %get3A_375 : vector<16xf32>
        %add3A_377 = arith.constant 224 : i32
        %add3A_378 = arith.addi %add3A_377, %scan3A_256 : i32
        %get3A_379 = arith.index_cast %add3A_378 : i32 to index
        %get3A_380 = arith.constant 16 : index
        %get3A_381 = tpu.vector_load %arg10[%get3A_379, %get3A_380] {strides = array<i32>} : memref<320x128xf32, #tpu.memory_space<vmem>>, vector<1x16xf32>,
        %get3A_382 = vector.shape_cast %get3A_381 : vector<1x16xf32> to vector<16xf32>
        %add3A_383 = arith.addf %add3A_376, %get3A_382 : vector<16xf32>
        %add3A_384 = arith.constant 256 : i32
        %add3A_385 = arith.addi %add3A_384, %scan3A_256 : i32
        %get3A_386 = arith.index_cast %add3A_385 : i32 to index
        %get3A_387 = arith.constant 16 : index
        %get3A_388 = tpu.vector_load %arg10[%get3A_386, %get3A_387] {strides = array<i32>} : memref<320x128xf32, #tpu.memory_space<vmem>>, vector<1x16xf32>,
        %get3A_389 = vector.shape_cast %get3A_388 : vector<1x16xf32> to vector<16xf32>
        %add3A_390 = arith.addf %add3A_383, %get3A_389 : vector<16xf32>
        %add3A_391 = arith.constant 288 : i32
        %add3A_392 = arith.addi %add3A_391, %scan3A_256 : i32
        %get3A_393 = arith.index_cast %add3A_392 : i32 to index
        %get3A_394 = arith.constant 16 : index
        %get3A_395 = tpu.vector_load %arg10[%get3A_393, %get3A_394] {strides = array<i32>} : memref<320x128xf32, #tpu.memory_space<vmem>>, vector<1x16xf32>,
        %get3A_396 = vector.shape_cast %get3A_395 : vector<1x16xf32> to vector<16xf32>
        %add3A_397 = arith.addf %add3A_390, %get3A_396 : vector<16xf32>
        %mul3A_398 = arith.constant 1.000000e-01 : f32
        %mul3A_399 = vector.broadcast %mul3A_398 : f32 to vector<16xf32>
        %mul3A_400 = arith.mulf %add3A_397, %mul3A_399 : vector<16xf32>
        %swap3A_401 = arith.index_cast %scan3A_256 : i32 to index
        %swap3A_402 = arith.constant 16 : index
        %swap3A_403 = tpu.vector_load %arg12[%swap3A_401, %swap3A_402] {strides = array<i32>} : memref<32x128xf32, #tpu.memory_space<vmem>>, vector<1x16xf32>,
        %swap3A_404 = vector.shape_cast %swap3A_403 : vector<1x16xf32> to vector<16xf32>
        %swap3A_405 = vector.shape_cast %mul3A_400 : vector<16xf32> to vector<1x16xf32>
        tpu.vector_store %arg12[%swap3A_401, %swap3A_402], %swap3A_405 {strides = array<i32>} : memref<32x128xf32, #tpu.memory_space<vmem>>, vector<1x16xf32>,
        %get3A_406 = arith.index_cast %scan3A_256 : i32 to index
        %get3A_407 = arith.constant 32 : index
        %get3A_408 = tpu.vector_load %arg10[%get3A_406, %get3A_407] {strides = array<i32>} : memref<320x128xf32, #tpu.memory_space<vmem>>, vector<1x16xf32>,
        %get3A_409 = vector.shape_cast %get3A_408 : vector<1x16xf32> to vector<16xf32>
        %add3A_410 = arith.constant 32 : i32
        %add3A_411 = arith.addi %add3A_410, %scan3A_256 : i32
        %get3A_412 = arith.index_cast %add3A_411 : i32 to index
        %get3A_413 = arith.constant 32 : index
        %get3A_414 = tpu.vector_load %arg10[%get3A_412, %get3A_413] {strides = array<i32>} : memref<320x128xf32, #tpu.memory_space<vmem>>, vector<1x16xf32>,
        %get3A_415 = vector.shape_cast %get3A_414 : vector<1x16xf32> to vector<16xf32>
        %add3A_416 = arith.addf %get3A_409, %get3A_415 : vector<16xf32>
        %add3A_417 = arith.constant 64 : i32
        %add3A_418 = arith.addi %add3A_417, %scan3A_256 : i32
        %get3A_419 = arith.index_cast %add3A_418 : i32 to index
        %get3A_420 = arith.constant 32 : index
        %get3A_421 = tpu.vector_load %arg10[%get3A_419, %get3A_420] {strides = array<i32>} : memref<320x128xf32, #tpu.memory_space<vmem>>, vector<1x16xf32>,
        %get3A_422 = vector.shape_cast %get3A_421 : vector<1x16xf32> to vector<16xf32>
        %add3A_423 = arith.addf %add3A_416, %get3A_422 : vector<16xf32>
        %add3A_424 = arith.constant 96 : i32
        %add3A_425 = arith.addi %add3A_424, %scan3A_256 : i32
        %get3A_426 = arith.index_cast %add3A_425 : i32 to index
        %get3A_427 = arith.constant 32 : index
        %get3A_428 = tpu.vector_load %arg10[%get3A_426, %get3A_427] {strides = array<i32>} : memref<320x128xf32, #tpu.memory_space<vmem>>, vector<1x16xf32>,
        %get3A_429 = vector.shape_cast %get3A_428 : vector<1x16xf32> to vector<16xf32>
        %add3A_430 = arith.addf %add3A_423, %get3A_429 : vector<16xf32>
        %add3A_431 = arith.constant 128 : i32
        %add3A_432 = arith.addi %add3A_431, %scan3A_256 : i32
        %get3A_433 = arith.index_cast %add3A_432 : i32 to index
        %get3A_434 = arith.constant 32 : index
        %get3A_435 = tpu.vector_load %arg10[%get3A_433, %get3A_434] {strides = array<i32>} : memref<320x128xf32, #tpu.memory_space<vmem>>, vector<1x16xf32>,
        %get3A_436 = vector.shape_cast %get3A_435 : vector<1x16xf32> to vector<16xf32>
        %add3A_437 = arith.addf %add3A_430, %get3A_436 : vector<16xf32>
        %add3A_438 = arith.constant 160 : i32
        %add3A_439 = arith.addi %add3A_438, %scan3A_256 : i32
        %get3A_440 = arith.index_cast %add3A_439 : i32 to index
        %get3A_441 = arith.constant 32 : index
        %get3A_442 = tpu.vector_load %arg10[%get3A_440, %get3A_441] {strides = array<i32>} : memref<320x128xf32, #tpu.memory_space<vmem>>, vector<1x16xf32>,
        %get3A_443 = vector.shape_cast %get3A_442 : vector<1x16xf32> to vector<16xf32>
        %add3A_444 = arith.addf %add3A_437, %get3A_443 : vector<16xf32>
        %add3A_445 = arith.constant 192 : i32
        %add3A_446 = arith.addi %add3A_445, %scan3A_256 : i32
        %get3A_447 = arith.index_cast %add3A_446 : i32 to index
        %get3A_448 = arith.constant 32 : index
        %get3A_449 = tpu.vector_load %arg10[%get3A_447, %get3A_448] {strides = array<i32>} : memref<320x128xf32, #tpu.memory_space<vmem>>, vector<1x16xf32>,
        %get3A_450 = vector.shape_cast %get3A_449 : vector<1x16xf32> to vector<16xf32>
        %add3A_451 = arith.addf %add3A_444, %get3A_450 : vector<16xf32>
        %add3A_452 = arith.constant 224 : i32
        %add3A_453 = arith.addi %add3A_452, %scan3A_256 : i32
        %get3A_454 = arith.index_cast %add3A_453 : i32 to index
        %get3A_455 = arith.constant 32 : index
        %get3A_456 = tpu.vector_load %arg10[%get3A_454, %get3A_455] {strides = array<i32>} : memref<320x128xf32, #tpu.memory_space<vmem>>, vector<1x16xf32>,
        %get3A_457 = vector.shape_cast %get3A_456 : vector<1x16xf32> to vector<16xf32>
        %add3A_458 = arith.addf %add3A_451, %get3A_457 : vector<16xf32>
        %add3A_459 = arith.constant 256 : i32
        %add3A_460 = arith.addi %add3A_459, %scan3A_256 : i32
        %get3A_461 = arith.index_cast %add3A_460 : i32 to index
        %get3A_462 = arith.constant 32 : index
        %get3A_463 = tpu.vector_load %arg10[%get3A_461, %get3A_462] {strides = array<i32>} : memref<320x128xf32, #tpu.memory_space<vmem>>, vector<1x16xf32>,
        %get3A_464 = vector.shape_cast %get3A_463 : vector<1x16xf32> to vector<16xf32>
        %add3A_465 = arith.addf %add3A_458, %get3A_464 : vector<16xf32>
        %add3A_466 = arith.constant 288 : i32
        %add3A_467 = arith.addi %add3A_466, %scan3A_256 : i32
        %get3A_468 = arith.index_cast %add3A_467 : i32 to index
        %get3A_469 = arith.constant 32 : index
        %get3A_470 = tpu.vector_load %arg10[%get3A_468, %get3A_469] {strides = array<i32>} : memref<320x128xf32, #tpu.memory_space<vmem>>, vector<1x16xf32>,
        %get3A_471 = vector.shape_cast %get3A_470 : vector<1x16xf32> to vector<16xf32>
        %add3A_472 = arith.addf %add3A_465, %get3A_471 : vector<16xf32>
        %mul3A_473 = arith.constant 1.000000e-01 : f32
        %mul3A_474 = vector.broadcast %mul3A_473 : f32 to vector<16xf32>
        %mul3A_475 = arith.mulf %add3A_472, %mul3A_474 : vector<16xf32>
        %swap3A_476 = arith.index_cast %scan3A_256 : i32 to index
        %swap3A_477 = arith.constant 32 : index
        %swap3A_478 = tpu.vector_load %arg12[%swap3A_476, %swap3A_477] {strides = array<i32>} : memref<32x128xf32, #tpu.memory_space<vmem>>, vector<1x16xf32>,
        %swap3A_479 = vector.shape_cast %swap3A_478 : vector<1x16xf32> to vector<16xf32>
        %swap3A_480 = vector.shape_cast %mul3A_475 : vector<16xf32> to vector<1x16xf32>
        tpu.vector_store %arg12[%swap3A_476, %swap3A_477], %swap3A_480 {strides = array<i32>} : memref<32x128xf32, #tpu.memory_space<vmem>>, vector<1x16xf32>,
        %get3A_481 = arith.index_cast %scan3A_256 : i32 to index
        %get3A_482 = arith.constant 48 : index
        %get3A_483 = tpu.vector_load %arg10[%get3A_481, %get3A_482] {strides = array<i32>} : memref<320x128xf32, #tpu.memory_space<vmem>>, vector<1x16xf32>,
        %get3A_484 = vector.shape_cast %get3A_483 : vector<1x16xf32> to vector<16xf32>
        %add3A_485 = arith.constant 32 : i32
        %add3A_486 = arith.addi %add3A_485, %scan3A_256 : i32
        %get3A_487 = arith.index_cast %add3A_486 : i32 to index
        %get3A_488 = arith.constant 48 : index
        %get3A_489 = tpu.vector_load %arg10[%get3A_487, %get3A_488] {strides = array<i32>} : memref<320x128xf32, #tpu.memory_space<vmem>>, vector<1x16xf32>,
        %get3A_490 = vector.shape_cast %get3A_489 : vector<1x16xf32> to vector<16xf32>
        %add3A_491 = arith.addf %get3A_484, %get3A_490 : vector<16xf32>
        %add3A_492 = arith.constant 64 : i32
        %add3A_493 = arith.addi %add3A_492, %scan3A_256 : i32
        %get3A_494 = arith.index_cast %add3A_493 : i32 to index
        %get3A_495 = arith.constant 48 : index
        %get3A_496 = tpu.vector_load %arg10[%get3A_494, %get3A_495] {strides = array<i32>} : memref<320x128xf32, #tpu.memory_space<vmem>>, vector<1x16xf32>,
        %get3A_497 = vector.shape_cast %get3A_496 : vector<1x16xf32> to vector<16xf32>
        %add3A_498 = arith.addf %add3A_491, %get3A_497 : vector<16xf32>
        %add3A_499 = arith.constant 96 : i32
        %add3A_500 = arith.addi %add3A_499, %scan3A_256 : i32
        %get3A_501 = arith.index_cast %add3A_500 : i32 to index
        %get3A_502 = arith.constant 48 : index
        %get3A_503 = tpu.vector_load %arg10[%get3A_501, %get3A_502] {strides = array<i32>} : memref<320x128xf32, #tpu.memory_space<vmem>>, vector<1x16xf32>,
        %get3A_504 = vector.shape_cast %get3A_503 : vector<1x16xf32> to vector<16xf32>
        %add3A_505 = arith.addf %add3A_498, %get3A_504 : vector<16xf32>
        %add3A_506 = arith.constant 128 : i32
        %add3A_507 = arith.addi %add3A_506, %scan3A_256 : i32
        %get3A_508 = arith.index_cast %add3A_507 : i32 to index
        %get3A_509 = arith.constant 48 : index
        %get3A_510 = tpu.vector_load %arg10[%get3A_508, %get3A_509] {strides = array<i32>} : memref<320x128xf32, #tpu.memory_space<vmem>>, vector<1x16xf32>,
        %get3A_511 = vector.shape_cast %get3A_510 : vector<1x16xf32> to vector<16xf32>
        %add3A_512 = arith.addf %add3A_505, %get3A_511 : vector<16xf32>
        %add3A_513 = arith.constant 160 : i32
        %add3A_514 = arith.addi %add3A_513, %scan3A_256 : i32
        %get3A_515 = arith.index_cast %add3A_514 : i32 to index
        %get3A_516 = arith.constant 48 : index
        %get3A_517 = tpu.vector_load %arg10[%get3A_515, %get3A_516] {strides = array<i32>} : memref<320x128xf32, #tpu.memory_space<vmem>>, vector<1x16xf32>,
        %get3A_518 = vector.shape_cast %get3A_517 : vector<1x16xf32> to vector<16xf32>
        %add3A_519 = arith.addf %add3A_512, %get3A_518 : vector<16xf32>
        %add3A_520 = arith.constant 192 : i32
        %add3A_521 = arith.addi %add3A_520, %scan3A_256 : i32
        %get3A_522 = arith.index_cast %add3A_521 : i32 to index
        %get3A_523 = arith.constant 48 : index
        %get3A_524 = tpu.vector_load %arg10[%get3A_522, %get3A_523] {strides = array<i32>} : memref<320x128xf32, #tpu.memory_space<vmem>>, vector<1x16xf32>,
        %get3A_525 = vector.shape_cast %get3A_524 : vector<1x16xf32> to vector<16xf32>
        %add3A_526 = arith.addf %add3A_519, %get3A_525 : vector<16xf32>
        %add3A_527 = arith.constant 224 : i32
        %add3A_528 = arith.addi %add3A_527, %scan3A_256 : i32
        %get3A_529 = arith.index_cast %add3A_528 : i32 to index
        %get3A_530 = arith.constant 48 : index
        %get3A_531 = tpu.vector_load %arg10[%get3A_529, %get3A_530] {strides = array<i32>} : memref<320x128xf32, #tpu.memory_space<vmem>>, vector<1x16xf32>,
        %get3A_532 = vector.shape_cast %get3A_531 : vector<1x16xf32> to vector<16xf32>
        %add3A_533 = arith.addf %add3A_526, %get3A_532 : vector<16xf32>
        %add3A_534 = arith.constant 256 : i32
        %add3A_535 = arith.addi %add3A_534, %scan3A_256 : i32
        %get3A_536 = arith.index_cast %add3A_535 : i32 to index
        %get3A_537 = arith.constant 48 : index
        %get3A_538 = tpu.vector_load %arg10[%get3A_536, %get3A_537] {strides = array<i32>} : memref<320x128xf32, #tpu.memory_space<vmem>>, vector<1x16xf32>,
        %get3A_539 = vector.shape_cast %get3A_538 : vector<1x16xf32> to vector<16xf32>
        %add3A_540 = arith.addf %add3A_533, %get3A_539 : vector<16xf32>
        %add3A_541 = arith.constant 288 : i32
        %add3A_542 = arith.addi %add3A_541, %scan3A_256 : i32
        %get3A_543 = arith.index_cast %add3A_542 : i32 to index
        %get3A_544 = arith.constant 48 : index
        %get3A_545 = tpu.vector_load %arg10[%get3A_543, %get3A_544] {strides = array<i32>} : memref<320x128xf32, #tpu.memory_space<vmem>>, vector<1x16xf32>,
        %get3A_546 = vector.shape_cast %get3A_545 : vector<1x16xf32> to vector<16xf32>
        %add3A_547 = arith.addf %add3A_540, %get3A_546 : vector<16xf32>
        %mul3A_548 = arith.constant 1.000000e-01 : f32
        %mul3A_549 = vector.broadcast %mul3A_548 : f32 to vector<16xf32>
        %mul3A_550 = arith.mulf %add3A_547, %mul3A_549 : vector<16xf32>
        %swap3A_551 = arith.index_cast %scan3A_256 : i32 to index
        %swap3A_552 = arith.constant 48 : index
        %swap3A_553 = tpu.vector_load %arg12[%swap3A_551, %swap3A_552] {strides = array<i32>} : memref<32x128xf32, #tpu.memory_space<vmem>>, vector<1x16xf32>,
        %swap3A_554 = vector.shape_cast %swap3A_553 : vector<1x16xf32> to vector<16xf32>
        %swap3A_555 = vector.shape_cast %mul3A_550 : vector<16xf32> to vector<1x16xf32>
        tpu.vector_store %arg12[%swap3A_551, %swap3A_552], %swap3A_555 {strides = array<i32>} : memref<32x128xf32, #tpu.memory_space<vmem>>, vector<1x16xf32>,
        %get3A_556 = arith.index_cast %scan3A_256 : i32 to index
        %get3A_557 = arith.constant 64 : index
        %get3A_558 = tpu.vector_load %arg10[%get3A_556, %get3A_557] {strides = array<i32>} : memref<320x128xf32, #tpu.memory_space<vmem>>, vector<1x16xf32>,
        %get3A_559 = vector.shape_cast %get3A_558 : vector<1x16xf32> to vector<16xf32>
        %add3A_560 = arith.constant 32 : i32
        %add3A_561 = arith.addi %add3A_560, %scan3A_256 : i32
        %get3A_562 = arith.index_cast %add3A_561 : i32 to index
        %get3A_563 = arith.constant 64 : index
        %get3A_564 = tpu.vector_load %arg10[%get3A_562, %get3A_563] {strides = array<i32>} : memref<320x128xf32, #tpu.memory_space<vmem>>, vector<1x16xf32>,
        %get3A_565 = vector.shape_cast %get3A_564 : vector<1x16xf32> to vector<16xf32>
        %add3A_566 = arith.addf %get3A_559, %get3A_565 : vector<16xf32>
        %add3A_567 = arith.constant 64 : i32
        %add3A_568 = arith.addi %add3A_567, %scan3A_256 : i32
        %get3A_569 = arith.index_cast %add3A_568 : i32 to index
        %get3A_570 = arith.constant 64 : index
        %get3A_571 = tpu.vector_load %arg10[%get3A_569, %get3A_570] {strides = array<i32>} : memref<320x128xf32, #tpu.memory_space<vmem>>, vector<1x16xf32>,
        %get3A_572 = vector.shape_cast %get3A_571 : vector<1x16xf32> to vector<16xf32>
        %add3A_573 = arith.addf %add3A_566, %get3A_572 : vector<16xf32>
        %add3A_574 = arith.constant 96 : i32
        %add3A_575 = arith.addi %add3A_574, %scan3A_256 : i32
        %get3A_576 = arith.index_cast %add3A_575 : i32 to index
        %get3A_577 = arith.constant 64 : index
        %get3A_578 = tpu.vector_load %arg10[%get3A_576, %get3A_577] {strides = array<i32>} : memref<320x128xf32, #tpu.memory_space<vmem>>, vector<1x16xf32>,
        %get3A_579 = vector.shape_cast %get3A_578 : vector<1x16xf32> to vector<16xf32>
        %add3A_580 = arith.addf %add3A_573, %get3A_579 : vector<16xf32>
        %add3A_581 = arith.constant 128 : i32
        %add3A_582 = arith.addi %add3A_581, %scan3A_256 : i32
        %get3A_583 = arith.index_cast %add3A_582 : i32 to index
        %get3A_584 = arith.constant 64 : index
        %get3A_585 = tpu.vector_load %arg10[%get3A_583, %get3A_584] {strides = array<i32>} : memref<320x128xf32, #tpu.memory_space<vmem>>, vector<1x16xf32>,
        %get3A_586 = vector.shape_cast %get3A_585 : vector<1x16xf32> to vector<16xf32>
        %add3A_587 = arith.addf %add3A_580, %get3A_586 : vector<16xf32>
        %add3A_588 = arith.constant 160 : i32
        %add3A_589 = arith.addi %add3A_588, %scan3A_256 : i32
        %get3A_590 = arith.index_cast %add3A_589 : i32 to index
        %get3A_591 = arith.constant 64 : index
        %get3A_592 = tpu.vector_load %arg10[%get3A_590, %get3A_591] {strides = array<i32>} : memref<320x128xf32, #tpu.memory_space<vmem>>, vector<1x16xf32>,
        %get3A_593 = vector.shape_cast %get3A_592 : vector<1x16xf32> to vector<16xf32>
        %add3A_594 = arith.addf %add3A_587, %get3A_593 : vector<16xf32>
        %add3A_595 = arith.constant 192 : i32
        %add3A_596 = arith.addi %add3A_595, %scan3A_256 : i32
        %get3A_597 = arith.index_cast %add3A_596 : i32 to index
        %get3A_598 = arith.constant 64 : index
        %get3A_599 = tpu.vector_load %arg10[%get3A_597, %get3A_598] {strides = array<i32>} : memref<320x128xf32, #tpu.memory_space<vmem>>, vector<1x16xf32>,
        %get3A_600 = vector.shape_cast %get3A_599 : vector<1x16xf32> to vector<16xf32>
        %add3A_601 = arith.addf %add3A_594, %get3A_600 : vector<16xf32>
        %add3A_602 = arith.constant 224 : i32
        %add3A_603 = arith.addi %add3A_602, %scan3A_256 : i32
        %get3A_604 = arith.index_cast %add3A_603 : i32 to index
        %get3A_605 = arith.constant 64 : index
        %get3A_606 = tpu.vector_load %arg10[%get3A_604, %get3A_605] {strides = array<i32>} : memref<320x128xf32, #tpu.memory_space<vmem>>, vector<1x16xf32>,
        %get3A_607 = vector.shape_cast %get3A_606 : vector<1x16xf32> to vector<16xf32>
        %add3A_608 = arith.addf %add3A_601, %get3A_607 : vector<16xf32>
        %add3A_609 = arith.constant 256 : i32
        %add3A_610 = arith.addi %add3A_609, %scan3A_256 : i32
        %get3A_611 = arith.index_cast %add3A_610 : i32 to index
        %get3A_612 = arith.constant 64 : index
        %get3A_613 = tpu.vector_load %arg10[%get3A_611, %get3A_612] {strides = array<i32>} : memref<320x128xf32, #tpu.memory_space<vmem>>, vector<1x16xf32>,
        %get3A_614 = vector.shape_cast %get3A_613 : vector<1x16xf32> to vector<16xf32>
        %add3A_615 = arith.addf %add3A_608, %get3A_614 : vector<16xf32>
        %add3A_616 = arith.constant 288 : i32
        %add3A_617 = arith.addi %add3A_616, %scan3A_256 : i32
        %get3A_618 = arith.index_cast %add3A_617 : i32 to index
        %get3A_619 = arith.constant 64 : index
        %get3A_620 = tpu.vector_load %arg10[%get3A_618, %get3A_619] {strides = array<i32>} : memref<320x128xf32, #tpu.memory_space<vmem>>, vector<1x16xf32>,
        %get3A_621 = vector.shape_cast %get3A_620 : vector<1x16xf32> to vector<16xf32>
        %add3A_622 = arith.addf %add3A_615, %get3A_621 : vector<16xf32>
        %mul3A_623 = arith.constant 1.000000e-01 : f32
        %mul3A_624 = vector.broadcast %mul3A_623 : f32 to vector<16xf32>
        %mul3A_625 = arith.mulf %add3A_622, %mul3A_624 : vector<16xf32>
        %swap3A_626 = arith.index_cast %scan3A_256 : i32 to index
        %swap3A_627 = arith.constant 64 : index
        %swap3A_628 = tpu.vector_load %arg12[%swap3A_626, %swap3A_627] {strides = array<i32>} : memref<32x128xf32, #tpu.memory_space<vmem>>, vector<1x16xf32>,
        %swap3A_629 = vector.shape_cast %swap3A_628 : vector<1x16xf32> to vector<16xf32>
        %swap3A_630 = vector.shape_cast %mul3A_625 : vector<16xf32> to vector<1x16xf32>
        tpu.vector_store %arg12[%swap3A_626, %swap3A_627], %swap3A_630 {strides = array<i32>} : memref<32x128xf32, #tpu.memory_space<vmem>>, vector<1x16xf32>,
        %get3A_631 = arith.index_cast %scan3A_256 : i32 to index
        %get3A_632 = arith.constant 80 : index
        %get3A_633 = tpu.vector_load %arg10[%get3A_631, %get3A_632] {strides = array<i32>} : memref<320x128xf32, #tpu.memory_space<vmem>>, vector<1x16xf32>,
        %get3A_634 = vector.shape_cast %get3A_633 : vector<1x16xf32> to vector<16xf32>
        %add3A_635 = arith.constant 32 : i32
        %add3A_636 = arith.addi %add3A_635, %scan3A_256 : i32
        %get3A_637 = arith.index_cast %add3A_636 : i32 to index
        %get3A_638 = arith.constant 80 : index
        %get3A_639 = tpu.vector_load %arg10[%get3A_637, %get3A_638] {strides = array<i32>} : memref<320x128xf32, #tpu.memory_space<vmem>>, vector<1x16xf32>,
        %get3A_640 = vector.shape_cast %get3A_639 : vector<1x16xf32> to vector<16xf32>
        %add3A_641 = arith.addf %get3A_634, %get3A_640 : vector<16xf32>
        %add3A_642 = arith.constant 64 : i32
        %add3A_643 = arith.addi %add3A_642, %scan3A_256 : i32
        %get3A_644 = arith.index_cast %add3A_643 : i32 to index
        %get3A_645 = arith.constant 80 : index
        %get3A_646 = tpu.vector_load %arg10[%get3A_644, %get3A_645] {strides = array<i32>} : memref<320x128xf32, #tpu.memory_space<vmem>>, vector<1x16xf32>,
        %get3A_647 = vector.shape_cast %get3A_646 : vector<1x16xf32> to vector<16xf32>
        %add3A_648 = arith.addf %add3A_641, %get3A_647 : vector<16xf32>
        %add3A_649 = arith.constant 96 : i32
        %add3A_650 = arith.addi %add3A_649, %scan3A_256 : i32
        %get3A_651 = arith.index_cast %add3A_650 : i32 to index
        %get3A_652 = arith.constant 80 : index
        %get3A_653 = tpu.vector_load %arg10[%get3A_651, %get3A_652] {strides = array<i32>} : memref<320x128xf32, #tpu.memory_space<vmem>>, vector<1x16xf32>,
        %get3A_654 = vector.shape_cast %get3A_653 : vector<1x16xf32> to vector<16xf32>
        %add3A_655 = arith.addf %add3A_648, %get3A_654 : vector<16xf32>
        %add3A_656 = arith.constant 128 : i32
        %add3A_657 = arith.addi %add3A_656, %scan3A_256 : i32
        %get3A_658 = arith.index_cast %add3A_657 : i32 to index
        %get3A_659 = arith.constant 80 : index
        %get3A_660 = tpu.vector_load %arg10[%get3A_658, %get3A_659] {strides = array<i32>} : memref<320x128xf32, #tpu.memory_space<vmem>>, vector<1x16xf32>,
        %get3A_661 = vector.shape_cast %get3A_660 : vector<1x16xf32> to vector<16xf32>
        %add3A_662 = arith.addf %add3A_655, %get3A_661 : vector<16xf32>
        %add3A_663 = arith.constant 160 : i32
        %add3A_664 = arith.addi %add3A_663, %scan3A_256 : i32
        %get3A_665 = arith.index_cast %add3A_664 : i32 to index
        %get3A_666 = arith.constant 80 : index
        %get3A_667 = tpu.vector_load %arg10[%get3A_665, %get3A_666] {strides = array<i32>} : memref<320x128xf32, #tpu.memory_space<vmem>>, vector<1x16xf32>,
        %get3A_668 = vector.shape_cast %get3A_667 : vector<1x16xf32> to vector<16xf32>
        %add3A_669 = arith.addf %add3A_662, %get3A_668 : vector<16xf32>
        %add3A_670 = arith.constant 192 : i32
        %add3A_671 = arith.addi %add3A_670, %scan3A_256 : i32
        %get3A_672 = arith.index_cast %add3A_671 : i32 to index
        %get3A_673 = arith.constant 80 : index
        %get3A_674 = tpu.vector_load %arg10[%get3A_672, %get3A_673] {strides = array<i32>} : memref<320x128xf32, #tpu.memory_space<vmem>>, vector<1x16xf32>,
        %get3A_675 = vector.shape_cast %get3A_674 : vector<1x16xf32> to vector<16xf32>
        %add3A_676 = arith.addf %add3A_669, %get3A_675 : vector<16xf32>
        %add3A_677 = arith.constant 224 : i32
        %add3A_678 = arith.addi %add3A_677, %scan3A_256 : i32
        %get3A_679 = arith.index_cast %add3A_678 : i32 to index
        %get3A_680 = arith.constant 80 : index
        %get3A_681 = tpu.vector_load %arg10[%get3A_679, %get3A_680] {strides = array<i32>} : memref<320x128xf32, #tpu.memory_space<vmem>>, vector<1x16xf32>,
        %get3A_682 = vector.shape_cast %get3A_681 : vector<1x16xf32> to vector<16xf32>
        %add3A_683 = arith.addf %add3A_676, %get3A_682 : vector<16xf32>
        %add3A_684 = arith.constant 256 : i32
        %add3A_685 = arith.addi %add3A_684, %scan3A_256 : i32
        %get3A_686 = arith.index_cast %add3A_685 : i32 to index
        %get3A_687 = arith.constant 80 : index
        %get3A_688 = tpu.vector_load %arg10[%get3A_686, %get3A_687] {strides = array<i32>} : memref<320x128xf32, #tpu.memory_space<vmem>>, vector<1x16xf32>,
        %get3A_689 = vector.shape_cast %get3A_688 : vector<1x16xf32> to vector<16xf32>
        %add3A_690 = arith.addf %add3A_683, %get3A_689 : vector<16xf32>
        %add3A_691 = arith.constant 288 : i32
        %add3A_692 = arith.addi %add3A_691, %scan3A_256 : i32
        %get3A_693 = arith.index_cast %add3A_692 : i32 to index
        %get3A_694 = arith.constant 80 : index
        %get3A_695 = tpu.vector_load %arg10[%get3A_693, %get3A_694] {strides = array<i32>} : memref<320x128xf32, #tpu.memory_space<vmem>>, vector<1x16xf32>,
        %get3A_696 = vector.shape_cast %get3A_695 : vector<1x16xf32> to vector<16xf32>
        %add3A_697 = arith.addf %add3A_690, %get3A_696 : vector<16xf32>
        %mul3A_698 = arith.constant 1.000000e-01 : f32
        %mul3A_699 = vector.broadcast %mul3A_698 : f32 to vector<16xf32>
        %mul3A_700 = arith.mulf %add3A_697, %mul3A_699 : vector<16xf32>
        %swap3A_701 = arith.index_cast %scan3A_256 : i32 to index
        %swap3A_702 = arith.constant 80 : index
        %swap3A_703 = tpu.vector_load %arg12[%swap3A_701, %swap3A_702] {strides = array<i32>} : memref<32x128xf32, #tpu.memory_space<vmem>>, vector<1x16xf32>,
        %swap3A_704 = vector.shape_cast %swap3A_703 : vector<1x16xf32> to vector<16xf32>
        %swap3A_705 = vector.shape_cast %mul3A_700 : vector<16xf32> to vector<1x16xf32>
        tpu.vector_store %arg12[%swap3A_701, %swap3A_702], %swap3A_705 {strides = array<i32>} : memref<32x128xf32, #tpu.memory_space<vmem>>, vector<1x16xf32>,
        %get3A_706 = arith.index_cast %scan3A_256 : i32 to index
        %get3A_707 = arith.constant 96 : index
        %get3A_708 = tpu.vector_load %arg10[%get3A_706, %get3A_707] {strides = array<i32>} : memref<320x128xf32, #tpu.memory_space<vmem>>, vector<1x16xf32>,
        %get3A_709 = vector.shape_cast %get3A_708 : vector<1x16xf32> to vector<16xf32>
        %add3A_710 = arith.constant 32 : i32
        %add3A_711 = arith.addi %add3A_710, %scan3A_256 : i32
        %get3A_712 = arith.index_cast %add3A_711 : i32 to index
        %get3A_713 = arith.constant 96 : index
        %get3A_714 = tpu.vector_load %arg10[%get3A_712, %get3A_713] {strides = array<i32>} : memref<320x128xf32, #tpu.memory_space<vmem>>, vector<1x16xf32>,
        %get3A_715 = vector.shape_cast %get3A_714 : vector<1x16xf32> to vector<16xf32>
        %add3A_716 = arith.addf %get3A_709, %get3A_715 : vector<16xf32>
        %add3A_717 = arith.constant 64 : i32
        %add3A_718 = arith.addi %add3A_717, %scan3A_256 : i32
        %get3A_719 = arith.index_cast %add3A_718 : i32 to index
        %get3A_720 = arith.constant 96 : index
        %get3A_721 = tpu.vector_load %arg10[%get3A_719, %get3A_720] {strides = array<i32>} : memref<320x128xf32, #tpu.memory_space<vmem>>, vector<1x16xf32>,
        %get3A_722 = vector.shape_cast %get3A_721 : vector<1x16xf32> to vector<16xf32>
        %add3A_723 = arith.addf %add3A_716, %get3A_722 : vector<16xf32>
        %add3A_724 = arith.constant 96 : i32
        %add3A_725 = arith.addi %add3A_724, %scan3A_256 : i32
        %get3A_726 = arith.index_cast %add3A_725 : i32 to index
        %get3A_727 = arith.constant 96 : index
        %get3A_728 = tpu.vector_load %arg10[%get3A_726, %get3A_727] {strides = array<i32>} : memref<320x128xf32, #tpu.memory_space<vmem>>, vector<1x16xf32>,
        %get3A_729 = vector.shape_cast %get3A_728 : vector<1x16xf32> to vector<16xf32>
        %add3A_730 = arith.addf %add3A_723, %get3A_729 : vector<16xf32>
        %add3A_731 = arith.constant 128 : i32
        %add3A_732 = arith.addi %add3A_731, %scan3A_256 : i32
        %get3A_733 = arith.index_cast %add3A_732 : i32 to index
        %get3A_734 = arith.constant 96 : index
        %get3A_735 = tpu.vector_load %arg10[%get3A_733, %get3A_734] {strides = array<i32>} : memref<320x128xf32, #tpu.memory_space<vmem>>, vector<1x16xf32>,
        %get3A_736 = vector.shape_cast %get3A_735 : vector<1x16xf32> to vector<16xf32>
        %add3A_737 = arith.addf %add3A_730, %get3A_736 : vector<16xf32>
        %add3A_738 = arith.constant 160 : i32
        %add3A_739 = arith.addi %add3A_738, %scan3A_256 : i32
        %get3A_740 = arith.index_cast %add3A_739 : i32 to index
        %get3A_741 = arith.constant 96 : index
        %get3A_742 = tpu.vector_load %arg10[%get3A_740, %get3A_741] {strides = array<i32>} : memref<320x128xf32, #tpu.memory_space<vmem>>, vector<1x16xf32>,
        %get3A_743 = vector.shape_cast %get3A_742 : vector<1x16xf32> to vector<16xf32>
        %add3A_744 = arith.addf %add3A_737, %get3A_743 : vector<16xf32>
        %add3A_745 = arith.constant 192 : i32
        %add3A_746 = arith.addi %add3A_745, %scan3A_256 : i32
        %get3A_747 = arith.index_cast %add3A_746 : i32 to index
        %get3A_748 = arith.constant 96 : index
        %get3A_749 = tpu.vector_load %arg10[%get3A_747, %get3A_748] {strides = array<i32>} : memref<320x128xf32, #tpu.memory_space<vmem>>, vector<1x16xf32>,
        %get3A_750 = vector.shape_cast %get3A_749 : vector<1x16xf32> to vector<16xf32>
        %add3A_751 = arith.addf %add3A_744, %get3A_750 : vector<16xf32>
        %add3A_752 = arith.constant 224 : i32
        %add3A_753 = arith.addi %add3A_752, %scan3A_256 : i32
        %get3A_754 = arith.index_cast %add3A_753 : i32 to index
        %get3A_755 = arith.constant 96 : index
        %get3A_756 = tpu.vector_load %arg10[%get3A_754, %get3A_755] {strides = array<i32>} : memref<320x128xf32, #tpu.memory_space<vmem>>, vector<1x16xf32>,
        %get3A_757 = vector.shape_cast %get3A_756 : vector<1x16xf32> to vector<16xf32>
        %add3A_758 = arith.addf %add3A_751, %get3A_757 : vector<16xf32>
        %add3A_759 = arith.constant 256 : i32
        %add3A_760 = arith.addi %add3A_759, %scan3A_256 : i32
        %get3A_761 = arith.index_cast %add3A_760 : i32 to index
        %get3A_762 = arith.constant 96 : index
        %get3A_763 = tpu.vector_load %arg10[%get3A_761, %get3A_762] {strides = array<i32>} : memref<320x128xf32, #tpu.memory_space<vmem>>, vector<1x16xf32>,
        %get3A_764 = vector.shape_cast %get3A_763 : vector<1x16xf32> to vector<16xf32>
        %add3A_765 = arith.addf %add3A_758, %get3A_764 : vector<16xf32>
        %add3A_766 = arith.constant 288 : i32
        %add3A_767 = arith.addi %add3A_766, %scan3A_256 : i32
        %get3A_768 = arith.index_cast %add3A_767 : i32 to index
        %get3A_769 = arith.constant 96 : index
        %get3A_770 = tpu.vector_load %arg10[%get3A_768, %get3A_769] {strides = array<i32>} : memref<320x128xf32, #tpu.memory_space<vmem>>, vector<1x16xf32>,
        %get3A_771 = vector.shape_cast %get3A_770 : vector<1x16xf32> to vector<16xf32>
        %add3A_772 = arith.addf %add3A_765, %get3A_771 : vector<16xf32>
        %mul3A_773 = arith.constant 1.000000e-01 : f32
        %mul3A_774 = vector.broadcast %mul3A_773 : f32 to vector<16xf32>
        %mul3A_775 = arith.mulf %add3A_772, %mul3A_774 : vector<16xf32>
        %swap3A_776 = arith.index_cast %scan3A_256 : i32 to index
        %swap3A_777 = arith.constant 96 : index
        %swap3A_778 = tpu.vector_load %arg12[%swap3A_776, %swap3A_777] {strides = array<i32>} : memref<32x128xf32, #tpu.memory_space<vmem>>, vector<1x16xf32>,
        %swap3A_779 = vector.shape_cast %swap3A_778 : vector<1x16xf32> to vector<16xf32>
        %swap3A_780 = vector.shape_cast %mul3A_775 : vector<16xf32> to vector<1x16xf32>
        tpu.vector_store %arg12[%swap3A_776, %swap3A_777], %swap3A_780 {strides = array<i32>} : memref<32x128xf32, #tpu.memory_space<vmem>>, vector<1x16xf32>,
        %get3A_781 = arith.index_cast %scan3A_256 : i32 to index
        %get3A_782 = arith.constant 112 : index
        %get3A_783 = tpu.vector_load %arg10[%get3A_781, %get3A_782] {strides = array<i32>} : memref<320x128xf32, #tpu.memory_space<vmem>>, vector<1x16xf32>,
        %get3A_784 = vector.shape_cast %get3A_783 : vector<1x16xf32> to vector<16xf32>
        %add3A_785 = arith.constant 32 : i32
        %add3A_786 = arith.addi %add3A_785, %scan3A_256 : i32
        %get3A_787 = arith.index_cast %add3A_786 : i32 to index
        %get3A_788 = arith.constant 112 : index
        %get3A_789 = tpu.vector_load %arg10[%get3A_787, %get3A_788] {strides = array<i32>} : memref<320x128xf32, #tpu.memory_space<vmem>>, vector<1x16xf32>,
        %get3A_790 = vector.shape_cast %get3A_789 : vector<1x16xf32> to vector<16xf32>
        %add3A_791 = arith.addf %get3A_784, %get3A_790 : vector<16xf32>
        %add3A_792 = arith.constant 64 : i32
        %add3A_793 = arith.addi %add3A_792, %scan3A_256 : i32
        %get3A_794 = arith.index_cast %add3A_793 : i32 to index
        %get3A_795 = arith.constant 112 : index
        %get3A_796 = tpu.vector_load %arg10[%get3A_794, %get3A_795] {strides = array<i32>} : memref<320x128xf32, #tpu.memory_space<vmem>>, vector<1x16xf32>,
        %get3A_797 = vector.shape_cast %get3A_796 : vector<1x16xf32> to vector<16xf32>
        %add3A_798 = arith.addf %add3A_791, %get3A_797 : vector<16xf32>
        %add3A_799 = arith.constant 96 : i32
        %add3A_800 = arith.addi %add3A_799, %scan3A_256 : i32
        %get3A_801 = arith.index_cast %add3A_800 : i32 to index
        %get3A_802 = arith.constant 112 : index
        %get3A_803 = tpu.vector_load %arg10[%get3A_801, %get3A_802] {strides = array<i32>} : memref<320x128xf32, #tpu.memory_space<vmem>>, vector<1x16xf32>,
        %get3A_804 = vector.shape_cast %get3A_803 : vector<1x16xf32> to vector<16xf32>
        %add3A_805 = arith.addf %add3A_798, %get3A_804 : vector<16xf32>
        %add3A_806 = arith.constant 128 : i32
        %add3A_807 = arith.addi %add3A_806, %scan3A_256 : i32
        %get3A_808 = arith.index_cast %add3A_807 : i32 to index
        %get3A_809 = arith.constant 112 : index
        %get3A_810 = tpu.vector_load %arg10[%get3A_808, %get3A_809] {strides = array<i32>} : memref<320x128xf32, #tpu.memory_space<vmem>>, vector<1x16xf32>,
        %get3A_811 = vector.shape_cast %get3A_810 : vector<1x16xf32> to vector<16xf32>
        %add3A_812 = arith.addf %add3A_805, %get3A_811 : vector<16xf32>
        %add3A_813 = arith.constant 160 : i32
        %add3A_814 = arith.addi %add3A_813, %scan3A_256 : i32
        %get3A_815 = arith.index_cast %add3A_814 : i32 to index
        %get3A_816 = arith.constant 112 : index
        %get3A_817 = tpu.vector_load %arg10[%get3A_815, %get3A_816] {strides = array<i32>} : memref<320x128xf32, #tpu.memory_space<vmem>>, vector<1x16xf32>,
        %get3A_818 = vector.shape_cast %get3A_817 : vector<1x16xf32> to vector<16xf32>
        %add3A_819 = arith.addf %add3A_812, %get3A_818 : vector<16xf32>
        %add3A_820 = arith.constant 192 : i32
        %add3A_821 = arith.addi %add3A_820, %scan3A_256 : i32
        %get3A_822 = arith.index_cast %add3A_821 : i32 to index
        %get3A_823 = arith.constant 112 : index
        %get3A_824 = tpu.vector_load %arg10[%get3A_822, %get3A_823] {strides = array<i32>} : memref<320x128xf32, #tpu.memory_space<vmem>>, vector<1x16xf32>,
        %get3A_825 = vector.shape_cast %get3A_824 : vector<1x16xf32> to vector<16xf32>
        %add3A_826 = arith.addf %add3A_819, %get3A_825 : vector<16xf32>
        %add3A_827 = arith.constant 224 : i32
        %add3A_828 = arith.addi %add3A_827, %scan3A_256 : i32
        %get3A_829 = arith.index_cast %add3A_828 : i32 to index
        %get3A_830 = arith.constant 112 : index
        %get3A_831 = tpu.vector_load %arg10[%get3A_829, %get3A_830] {strides = array<i32>} : memref<320x128xf32, #tpu.memory_space<vmem>>, vector<1x16xf32>,
        %get3A_832 = vector.shape_cast %get3A_831 : vector<1x16xf32> to vector<16xf32>
        %add3A_833 = arith.addf %add3A_826, %get3A_832 : vector<16xf32>
        %add3A_834 = arith.constant 256 : i32
        %add3A_835 = arith.addi %add3A_834, %scan3A_256 : i32
        %get3A_836 = arith.index_cast %add3A_835 : i32 to index
        %get3A_837 = arith.constant 112 : index
        %get3A_838 = tpu.vector_load %arg10[%get3A_836, %get3A_837] {strides = array<i32>} : memref<320x128xf32, #tpu.memory_space<vmem>>, vector<1x16xf32>,
        %get3A_839 = vector.shape_cast %get3A_838 : vector<1x16xf32> to vector<16xf32>
        %add3A_840 = arith.addf %add3A_833, %get3A_839 : vector<16xf32>
        %add3A_841 = arith.constant 288 : i32
        %add3A_842 = arith.addi %add3A_841, %scan3A_256 : i32
        %get3A_843 = arith.index_cast %add3A_842 : i32 to index
        %get3A_844 = arith.constant 112 : index
        %get3A_845 = tpu.vector_load %arg10[%get3A_843, %get3A_844] {strides = array<i32>} : memref<320x128xf32, #tpu.memory_space<vmem>>, vector<1x16xf32>,
        %get3A_846 = vector.shape_cast %get3A_845 : vector<1x16xf32> to vector<16xf32>
        %add3A_847 = arith.addf %add3A_840, %get3A_846 : vector<16xf32>
        %mul3A_848 = arith.constant 1.000000e-01 : f32
        %mul3A_849 = vector.broadcast %mul3A_848 : f32 to vector<16xf32>
        %mul3A_850 = arith.mulf %add3A_847, %mul3A_849 : vector<16xf32>
        %swap3A_851 = arith.index_cast %scan3A_256 : i32 to index
        %swap3A_852 = arith.constant 112 : index
        %swap3A_853 = tpu.vector_load %arg12[%swap3A_851, %swap3A_852] {strides = array<i32>} : memref<32x128xf32, #tpu.memory_space<vmem>>, vector<1x16xf32>,
        %swap3A_854 = vector.shape_cast %swap3A_853 : vector<1x16xf32> to vector<16xf32>
        %swap3A_855 = vector.shape_cast %mul3A_850 : vector<16xf32> to vector<1x16xf32>
        tpu.vector_store %arg12[%swap3A_851, %swap3A_852], %swap3A_855 {strides = array<i32>} : memref<32x128xf32, #tpu.memory_space<vmem>>, vector<1x16xf32>,
        %scan3A_856 = arith.constant 0 : i32
        scf.yield %scan3A_856 : i32
      }
      %scan3A_247 = arith.constant 32 : i32
      %mul3A_248 = arith.constant 32 : i32
      %mul3A_249 = arith.muli %add3A_235, %mul3A_248 : i32
      %add3A_250 = arith.addi %mul3A_2, %mul3A_249 : i32
      %dma_start3A_251 = arith.constant 128 : i32
      %dma_start3A_252 = tpu.memref_slice %arg4[%add3A_250, %dma_start3A_251] : memref<100352x256xf32, #tpu.memory_space<hbm>> -> memref<32x128xf32, #tpu.memory_space<hbm>>
      %dma_start3A_253 = arith.constant 128 : i32
      %dma_start3A_254 = tpu.memref_slice %arg4[%add3A_250, %dma_start3A_253] : memref<100352x256xf32, #tpu.memory_space<hbm>> -> memref<32x128xf32, #tpu.memory_space<hbm>>
      tpu.enqueue_dma source(%arg12 : memref<32x128xf32, #tpu.memory_space<vmem>>) target(%dma_start3A_254 : memref<32x128xf32, #tpu.memory_space<hbm>>) target_semaphore(%arg18 : memref<!tpu.dma_semaphore, #tpu.memory_space<semaphore_mem>>)
      %scan3A_255 = arith.constant 0 : i32
      scf.yield %scan3A_255 : i32
    }
    %scan3A_95 = arith.constant 49 : i32
    %dma_wait3A_96 = arith.constant 0 : i32
    %dma_wait3A_97 = tpu.memref_slice %arg4[%mul3A_2, %dma_wait3A_96] : memref<100352x256xf32, #tpu.memory_space<hbm>> -> memref<32x128xf32, #tpu.memory_space<hbm>>
    %dma_wait3A_98 = arith.constant 0 : i32
    %dma_wait3A_99 = tpu.memref_slice %arg4[%mul3A_2, %dma_wait3A_98] : memref<100352x256xf32, #tpu.memory_space<hbm>> -> memref<32x128xf32, #tpu.memory_space<hbm>>
    tpu.wait_dma2 semaphore(%arg15 : memref<!tpu.dma_semaphore, #tpu.memory_space<semaphore_mem>>) src(%arg7 : memref<32x128xf32, #tpu.memory_space<vmem>>) dst(%dma_wait3A_99 : memref<32x128xf32, #tpu.memory_space<hbm>>)
    %dma_wait3A_100 = arith.constant 128 : i32
    %dma_wait3A_101 = tpu.memref_slice %arg4[%mul3A_2, %dma_wait3A_100] : memref<100352x256xf32, #tpu.memory_space<hbm>> -> memref<32x128xf32, #tpu.memory_space<hbm>>
    %dma_wait3A_102 = arith.constant 128 : i32
    %dma_wait3A_103 = tpu.memref_slice %arg4[%mul3A_2, %dma_wait3A_102] : memref<100352x256xf32, #tpu.memory_space<hbm>> -> memref<32x128xf32, #tpu.memory_space<hbm>>
    tpu.wait_dma2 semaphore(%arg17 : memref<!tpu.dma_semaphore, #tpu.memory_space<semaphore_mem>>) src(%arg11 : memref<32x128xf32, #tpu.memory_space<vmem>>) dst(%dma_wait3A_103 : memref<32x128xf32, #tpu.memory_space<hbm>>)
    %dma_wait3A_104 = arith.constant 0 : i32
    %dma_wait3A_105 = tpu.memref_slice %arg4[%mul3A_2, %dma_wait3A_104] : memref<100352x256xf32, #tpu.memory_space<hbm>> -> memref<32x128xf32, #tpu.memory_space<hbm>>
    %dma_wait3A_106 = arith.constant 0 : i32
    %dma_wait3A_107 = tpu.memref_slice %arg4[%mul3A_2, %dma_wait3A_106] : memref<100352x256xf32, #tpu.memory_space<hbm>> -> memref<32x128xf32, #tpu.memory_space<hbm>>
    tpu.wait_dma2 semaphore(%arg16 : memref<!tpu.dma_semaphore, #tpu.memory_space<semaphore_mem>>) src(%arg8 : memref<32x128xf32, #tpu.memory_space<vmem>>) dst(%dma_wait3A_107 : memref<32x128xf32, #tpu.memory_space<hbm>>)
    %dma_wait3A_108 = arith.constant 128 : i32
    %dma_wait3A_109 = tpu.memref_slice %arg4[%mul3A_2, %dma_wait3A_108] : memref<100352x256xf32, #tpu.memory_space<hbm>> -> memref<32x128xf32, #tpu.memory_space<hbm>>
    %dma_wait3A_110 = arith.constant 128 : i32
    %dma_wait3A_111 = tpu.memref_slice %arg4[%mul3A_2, %dma_wait3A_110] : memref<100352x256xf32, #tpu.memory_space<hbm>> -> memref<32x128xf32, #tpu.memory_space<hbm>>
    tpu.wait_dma2 semaphore(%arg18 : memref<!tpu.dma_semaphore, #tpu.memory_space<semaphore_mem>>) src(%arg12 : memref<32x128xf32, #tpu.memory_space<vmem>>) dst(%dma_wait3A_111 : memref<32x128xf32, #tpu.memory_space<hbm>>)
    return
  }
}

module attributes {stable_mosaic.version = 14 : i64} {
  func.func @_mm_body(%arg0: i32, %arg1: memref<2048x256xf32, #tpu.memory_space<vmem>>, %arg2: memref<128x256xf32, #tpu.memory_space<vmem>>, %arg3: memref<128x2048xf32, #tpu.memory_space<vmem>>) attributes {dimension_semantics = [#tpu.dimension_semantics<arbitrary>], iteration_bounds = array<i64: 49>, scalar_prefetch = 0 : i64, scratch_operands = 0 : i64, tpu.core_type = #tpu.core_type<tc>, window_params = [{transform_indices = @transform_0, window_bounds = array<i64: 2048, 256>}, {pipeline_mode = #tpu.pipeline_mode<synchronous>, transform_indices = @transform_1, window_bounds = array<i64: 128, 256>}, {transform_indices = @transform_2, window_bounds = array<i64: 128, 2048>}]} {
    %get3A = arith.constant 0 : index
    %get3A_0 = arith.constant 0 : index
    %get3A_1 = vector.load %arg2[%get3A, %get3A_0] : memref<128x256xf32, #tpu.memory_space<vmem>>, vector<128x256xf32>
    %get3A_2 = arith.constant 0 : index
    %get3A_3 = arith.constant 0 : index
    %get3A_4 = vector.load %arg1[%get3A_2, %get3A_3] : memref<2048x256xf32, #tpu.memory_space<vmem>>, vector<2048x256xf32>
    %dot_general3A = arith.constant dense<0.000000e+00> : vector<128x2048xf32>
    %dot_general3A_5 = tpu.matmul %get3A_1, %get3A_4, %dot_general3A {dimension_numbers = #tpu.dot_dimension_numbers<[1], [1], [0], [0], [0, 0, 1, 0], [], []>, transpose_lhs_hint = false} : vector<128x256xf32>, vector<2048x256xf32>, vector<128x2048xf32> -> vector<128x2048xf32>
    %max3A = arith.constant 0.000000e+00 : f32
    %max3A_6 = vector.broadcast %max3A : f32 to vector<128x2048xf32>
    %max3A_7 = arith.maximumf %dot_general3A_5, %max3A_6 : vector<128x2048xf32>
    %swap3A = arith.constant 0 : index
    %swap3A_8 = arith.constant 0 : index
    %swap3A_9 = vector.load %arg3[%swap3A, %swap3A_8] : memref<128x2048xf32, #tpu.memory_space<vmem>>, vector<128x2048xf32>
    tpu.vector_store %arg3[%swap3A, %swap3A_8], %max3A_7 {strides = array<i32>} : memref<128x2048xf32, #tpu.memory_space<vmem>>, vector<128x2048xf32>,
    return
  }
  func.func @transform_0(%arg0: i32) -> (i32, i32) {
    %c0_i32 = arith.constant 0 : i32
    %c0_i32_0 = arith.constant 0 : i32
    return %arg0, %c0_i32 : i32, i32
  }
  func.func @transform_1(%arg0: i32) -> (i32, i32) {
    %c0_i32 = arith.constant 0 : i32
    %c0_i32_0 = arith.constant 0 : i32
    %c0_i32_1 = arith.constant 0 : i32
    return %c0_i32, %c0_i32_0 : i32, i32
  }
  func.func @transform_2(%arg0: i32) -> (i32, i32) {
    %c0_i32 = arith.constant 0 : i32
    %c0_i32_0 = arith.constant 0 : i32
    return %c0_i32, %arg0 : i32, i32
  }
}

</mosaic_0001>

<sc_bundles>
// kernel: kernel.4.cloned.1.call-start
scs
__scs_entry_jumppad:
0x0: {  	(pc) =	sbr.rel $0x88, $3  }
0x1: {  	(tag) =	ssettag $0x0;
	lr =	simm.s32 $0x1  }
0x2: {  	[smem:$0x3F9D] =	sst lr;
	_ =	strace $0xD0000000  }
0x3: {  	_ = 	snop  }
0x4: {  	_ = 	snop  }
0x5: {  	_ = 	snop  }
0x6: {  	_ = 	snop  }
0x7: {  	_ = 	snop  }
__scs_overlays_trampoline_lowered:
0x8: {  	[smem:$0x3FAC] =	sst s0  }
0x9: {  	[smem:$0x3FAD] =	sst s1  }
0xa: {  	[smem:$0x3FAE] =	sst s2  }
0xb: {  	[smem:$0x3FAF] =	sst s3  }
0xc: {  	[smem:$0x3FB0] =	sst s4  }
0xd: {  	[smem:$0x3FB1] =	sst s5  }
0xe: {  	[smem:$0x3FB2] =	sst s6  }
0xf: {  	[smem:$0x3FB3] =	sst s7  }
0x10: {  	[smem:$0x3FB4] =	sst s8  }
0x11: {  	[smem:$0x3FB5] =	sst s9;
	s0 =	simm.s32 @!p0 $0x0  }
0x12: {  	s1 =	sld [smem:$0x3F9B];
	s0 =	simm.s32 @p0 $0x1  }
0x13: {  	[smem:$0x3FB6] =	sst s0;
	s0 =	simm.s32 @!p1 $0x0  }
0x14: {  	s2 =	sld [smem:$0x3F9A];
	s0 =	simm.s32 @p1 $0x1  }
0x15: {  	[smem:$0x3FB7] =	sst s0;
	s0 =	simm.s32 @!p2 $0x0  }
0x16: {  	s3 =	sld [smem:$0x3FDB];
	s0 =	simm.s32 @p2 $0x1  }
0x17: {  	s4 =	simm.s32 $0x1BF5;
	[smem:$0x3FB9] =	sst s0  }
0x18: {  	s0 =	sld [smem:$0x3F9C];
	_ =	swait.ge [sflag:s4], $0x0  }
0x19: {  	s7 =	sld [smem:$0x3F9D]  }
0x1a: {  	s8 =	sadd.s32 $0xFFFFE003, lr  }
0x1b: {  	s9 =	sadd.s32 $0xFFFFFEF7, lr;
	s5 =	simm.s32 $0xFFFFFFFF;
	p2 =	slt.u32 s8, $0xFFFFF086  }
0x1c: {  	p1 =	slt.u32 s9, $0xF7A;
	s5 =	simm.s32 @!p2 $0x0  }
0x1d: {  	s5 =	simm.s32 @p1 $0x1;
	p0 =	seq.s32 s7, s2  }
0x1e: {  	s7 =	smul.u32 @!p0 $0xF7A, s2;
	p2 =	seq.s32 @!p0 s5, $0x0  }
0x1f: {  	s9 =	smul.u32 $0xF7A, s1;
	s8 =	simm.s32 @!p0 $0x1BF5;
	p2 =	por !p2, p0  }
0x20: {  	[sflag:s8] =	ssyncset.s32 @!p0 $0xFFFFF086;
	s6 =	sadd.s32 @!p0 s3, s7;
	s7 =	simm.s32 @!p0 $0x108  }
0x21: {  	s3 =	sadd.s32 s3, s9;
	s6 =	sadd.s32 @!p0 $0x88, s6;
	s7 =	simm.s32 @p2 $0x1082  }
0x22: {  	[simem:s7], [sflag:s8] =	dma.local @!p0 [hbm:s6], $0xF7A  }
0x23: {  	s9 =	sor.u32 $0xD0000000, s2;
	s6 =	simm.s32 $0x108;
	_ =	swait.ge @!p0 [sflag:s8], $0x0  }
0x24: {  	s3 =	sadd.s32 $0x88, s3;
	s6 =	simm.s32 @!p1 $0x1082;
	[sflag:s4] =	ssyncset.s32 $0xFFFFF086  }
0x25: {  	[simem:s6], [sflag:s4] =	dma.local [hbm:s3], $0xF7A  }
0x26: {  	[smem:$0x3F9D] =	sst s1;
	(tag) =	ssettag s2;
	_ =	strace s9  }
0x27: {  	s1 =	sld [smem:$0x3FAD]  }
0x28: {  	s2 =	sld [smem:$0x3FAE]  }
0x29: {  	s4 =	sld [smem:$0x3FB0]  }
0x2a: {  	p0 =	seq.s32 s5, $0x0;
	s5 =	sld [smem:$0x3FB1]  }
0x2b: {  	s6 =	sld [smem:$0x3FB2]  }
0x2c: {  	s7 =	sld [smem:$0x3FB3]  }
0x2d: {  	s3 =	simm.s32 $0x108;
	s8 =	sld [smem:$0x3FB4]  }
0x2e: {  	s3 =	simm.s32 @!p0 $0x1082;
	s9 =	sld [smem:$0x3FB5]  }
0x2f: {  	lr =	sadd.s32 s0, s3;
	s0 =	sld [smem:$0x3FAC]  }
0x30: {  	s3 =	sld [smem:$0x3FAF]  }
0x31: {  	[smem:$0x3FB8] =	sst s10  }
0x32: {  	s10 =	sld [smem:$0x3FB6];
	_ =	sdelay $0x3  }
0x33: {  	p0 =	seq.s32 s10, $0x1;
	s10 =	sld [smem:$0x3FB8];
	_ =	sdelay $0x3  }
0x34: {  	[smem:$0x3FB8] =	sst s10  }
0x35: {  	s10 =	sld [smem:$0x3FB7];
	_ =	sdelay $0x3  }
0x36: {  	p1 =	seq.s32 s10, $0x1;
	s10 =	sld [smem:$0x3FB8];
	_ =	sdelay $0x3  }
0x37: {  	[smem:$0x3FB8] =	sst s10  }
0x38: {  	s10 =	sld [smem:$0x3FB9]  }
0x39: {  	_ = 	snop;
	(pc) =	sbr.ind lr, $3  }
0x3a: {  	_ = 	snop  }
0x3b: {  	_ = 	snop  }
0x3c: {  	p2 =	seq.s32 s10, $0x1;
	s10 =	sld [smem:$0x3FB8]  }
0x3d: {  	_ =	shalt  }
0x3e: {  	_ =	shalt  }
0x3f: {  	_ =	shalt  }
0x40: {  	_ =	shalt  }
0x41: {  	_ =	shalt  }
0x42: {  	_ =	shalt  }
0x43: {  	_ =	shalt  }
0x44: {  	_ =	shalt  }
0x45: {  	_ =	shalt  }
0x46: {  	_ =	shalt  }
0x47: {  	_ =	shalt  }
0x48: {  	_ =	shalt  }
0x49: {  	_ =	shalt  }
0x4a: {  	_ =	shalt  }
0x4b: {  	_ =	shalt  }
0x4c: {  	_ =	shalt  }
0x4d: {  	_ =	shalt  }
0x4e: {  	_ =	shalt  }
0x4f: {  	_ =	shalt  }
0x50: {  	_ =	shalt  }
0x51: {  	_ =	shalt  }
0x52: {  	_ =	shalt  }
0x53: {  	_ =	shalt  }
0x54: {  	_ =	shalt  }
0x55: {  	_ =	shalt  }
0x56: {  	_ =	shalt  }
0x57: {  	_ =	shalt  }
0x58: {  	_ =	shalt  }
0x59: {  	_ =	shalt  }
0x5a: {  	_ =	shalt  }
0x5b: {  	_ =	shalt  }
0x5c: {  	_ =	shalt  }
0x5d: {  	_ =	shalt  }
0x5e: {  	_ =	shalt  }
0x5f: {  	_ =	shalt  }
0x60: {  	_ =	shalt  }
0x61: {  	_ =	shalt  }
0x62: {  	_ =	shalt  }
0x63: {  	_ =	shalt  }
0x64: {  	_ =	shalt  }
0x65: {  	_ =	shalt  }
0x66: {  	_ =	shalt  }
0x67: {  	_ =	shalt  }
0x68: {  	_ =	shalt  }
0x69: {  	_ =	shalt  }
0x6a: {  	_ =	shalt  }
0x6b: {  	_ =	shalt  }
0x6c: {  	_ =	shalt  }
0x6d: {  	_ =	shalt  }
0x6e: {  	_ =	shalt  }
0x6f: {  	_ =	shalt  }
0x70: {  	_ =	shalt  }
0x71: {  	_ =	shalt  }
0x72: {  	_ =	shalt  }
0x73: {  	_ =	shalt  }
0x74: {  	_ =	shalt  }
0x75: {  	_ =	shalt  }
0x76: {  	_ =	shalt  }
0x77: {  	_ =	shalt  }
0x78: {  	_ =	shalt  }
0x79: {  	_ =	shalt  }
0x7a: {  	_ =	shalt  }
0x7b: {  	_ =	shalt  }
0x7c: {  	_ =	shalt  }
0x7d: {  	_ =	shalt  }
0x7e: {  	_ =	shalt  }
0x7f: {  	_ =	shalt  }
0x80: {  	_ =	shalt  }
0x81: {  	_ =	shalt  }
0x82: {  	_ =	shalt  }
0x83: {  	_ =	shalt  }
0x84: {  	_ =	shalt  }
0x85: {  	_ =	shalt  }
0x86: {  	_ =	shalt  }
0x87: {  	_ =	shalt  }
.Lfunc_end0:
.L_simem_size_0:
called_computation_lowered:
.L_overlay_start_0:
0x88: {  	s2 =	sld [smem:$0x3FD9]  }
0x89: {  	s3 =	sld [smem:$0x3FFE];
	_ =	sdelay $0x1  }
0x8a: {  	s1 =	srdreg.scid  }
0x8b: {  	s0 =	sand.u32 $0x1, s1  }
0x8c: {  	s17 =	sshll.u32 s0, $0xA;
	s2 =	sadd.s32 s3, s2  }
0x8d: {  	s2 =	sadd.s32 s2, s17  }
0x8e: {  	[smem:$0x3FC4] =	sst s2  }
0x8f: {  	_ = 	snop  }
0x90: {  	s2 =	sld [smem:$0x3FC7]  }
0x91: {  	s18 =	sld [smem:$0x3FD0];
	(tm) =	ssettm $0x1  }
0x92: {  	s4 =	sld [smem:$0x3FFB];
	_ =	sdelay $0x3  }
0x93: {  	_ =	strace s4  }
0x94: {  	s4 =	sld [smem:$0x3FFC];
	_ =	sdelay $0x3  }
0x95: {  	_ =	strace s4  }
0x96: {  	s4 =	sld [smem:$0x3FFD];
	_ =	sdelay $0x3  }
0x97: {  	_ =	strace s4  }
0x98: {  	_ =	strace $0x8FFFFFFF  }
0x99: {  	s19 =	sld [smem:$0x3FDB];
	_ =	sdelay $0x1  }
0x9a: {  	s5 =	simm.s32 $_scs_section_size  }
0x9b: {  	s6 =	simm.s32 $_size__tile_overlayer_lowered;
	s7 =	simm.s32 $_tile_overlayer_lowered  }
0x9c: {  	s22 =	simm.s32 $0x1BFF;
	s21 =	sshll.u32 s7, $0x1;
	s4 =	sadd.s32 s5, s19  }
0x9d: {  	s8 =	simm.s32 $0x0;
	s20 =	sshll.u32 s6, $0x1;
	s6 =	sadd.s32 s21, s4  }
0x9e: {  	[timem:s8], [sflag:s22] =	dma.local [hbm:s6], s20  }
0x9f: {  	_ =	swait.ge [sflag:s22], s20  }
0xa0: {  	s5 =	ssub.s32 $0x0, s20;
	[sflag:s22] =	ssyncset.done $0x0  }
0xa1: {  	[sflag:s22] =	ssyncadd.s32 s5;
	_ =	sdelay $0x1  }
0xa2: {  	s23 =	simm.s32 $0x1B8B  }
0xa3: {  	_ =	swait.ge [sflag:s23], $0x1  }
0xa4: {  	[sflag:s23] =	ssyncset.done $0x0  }
0xa5: {  	s25 =	simm.s32 $0x1B8E;
	s24 =	sld [smem:$0x3FFE];
	[sflag:s23] =	ssyncadd.s32 $0xFFFFFFFF  }
0xa6: {  	s26 =	simm.s32 $execute0_lowered;
	[smem:$0x3FD2] =	sst s25  }
0xa7: {  	s6 =	sshll.u32 s26, $0x1;
	_ =	strace $0x80000046;
	[dreg:$0x1] =	wrdreg $0xFFFFFFFF  }
0xa8: {  	s28 =	simm.s32 $_size_execute0_lowered;
	s4 =	sadd.s32 s4, s6;
	[dreg:$0x0] =	wrdreg $0x0  }
0xa9: {  	s6 =	sshll.u32 s28, $0x1;
	[dreg:$0x2] =	wrdreg s4  }
0xaa: {  	[dreg:$0x3] =	wrdreg s6  }
0xab: {  	[dreg:$0x4] =	wrdreg $0xC0  }
0xac: {  	_ =	task [dreg:s8], $0x5FFFF  }
0xad: {  	[dreg:$0x1] =	wrdreg $0xFFFFFFFF  }
0xae: {  	[dreg:$0x0] =	wrdreg $0x60  }
0xaf: {  	[dreg:$0x2] =	wrdreg s2  }
0xb0: {  	[dreg:$0x3] =	wrdreg s18  }
0xb1: {  	[dreg:$0x4] =	wrdreg s24  }
0xb2: {  	[dreg:$0x5] =	wrdreg $0x9  }
0xb3: {  	_ =	task.clear_ibuf [dreg:s8], $0x6FFFF;
	_ =	strace $0x90000046  }
0xb4: {  	s29 =	simm.s32 $0x9;
	_ =	strace $0x80000048  }
0xb5: {  	_ =	swait.ge [sflag:s29], $0x1  }
0xb6: {  	[sflag:s29] =	ssyncadd.s32 $0xFFFFFFFF  }
0xb7: {  	_ =	strace $0x90000048  }
0xb8: {  	_ =	sfence  }
0xb9: {  	s30 =	sld [smem:$0x0];
	_ =	sdelay $0x2  }
0xba: {  	s31 =	sshll.u32 s1, $0xD;
	s1 =	sshrl.u32 s1, $0x2  }
0xbb: {  	s3 =	sand.u32 $0x4000, s31;
	s1 =	sadd.s32 s1, s30  }
0xbc: {  	s0 =	sor.u32 s3, s0;
	s1 =	sshll.u32 s1, $0x11  }
0xbd: {  	s0 =	sor.u32 s1, s0  }
0xbe: {  	s0 =	sadd.s32 $0x8F2B, s0  }
0xbf: {  	[sflag:s0] =	ssyncadd.remote.s32 $0x1  }
0xc0: {  	_ =	sfence.sel $0xFFFF  }
0xc1: {  	[dreg:$0x0] =	wrdreg $0xFFFFFFFF;
	(pc) =	sbr.abs _section_cstart, $3  }
0xc2: {  	[dreg:$0x1] =	wrdreg $0xFFFFFFFF  }
0xc3: {  	_ =	task.clear_ibuf [dreg:s8], $0x2FFFF;
	_ =	strace $0x9FFFFFFF  }
0xc4: {  	(tm) =	ssettm $0x7FFFFFFF  }
0xc5: {  	_ =	shalt  }
tec
execute0_lowered:
.L_overlay_start_1:
0x0: {  	(tag) =	ssettag $0x1  }
0x1: {  	s1 =	rddreg [dreg:$0x0]  }
0x2: {  	s3 =	rddreg [dreg:$0x1];
	s0 =	srdreg.scid  }
0x3: {  	s4 =	stileid.u32;
	s2 =	rddreg [dreg:$0x2];
	s5 =	simm.s32 $0x0  }
0x4: {  	s15 =	simm.s32 $0x20;
	s16 =	simm.s32 $0x300;
	s17 =	simm.s32 $0x80  }
0x5: {  	s21 =	simm.s32 $0x40;
	s24 =	simm.s32 $0x180;
	s25 =	simm.s32 $0x8  }
0x6: {  	s26 =	simm.s32 $0x1300;
	s18 =	simm.s32 $0x1;
	s19 =	simm.s32 $0x400  }
0x7: {  	s20 =	simm.s32 $0x800;
	s22 =	simm.s32 $0x16300;
	s23 =	simm.s32 $0x2  }
0x8: {  	s14 =	simm.s32 $0x6;
	s0 =	sand.u32 $0x1, s0;
	s4 =	sshll.u32 s4, $0x1  }
0x9: {  	s12 =	simm.s32 $0x0;
	[smem:$0x7FF] =	sst s5;
	s4 =	sor.u32 s0, s4  }
0xa: {  	s5 =	sadd.s32 $0x600, s2;
	s10 =	sadd.s32 $0x680, s2;
	s6 =	smul.u32 $0x86C0, s4  }
0xb: {  	s2 =	simm.s32 $0x2A0;
	s0 =	ssub.s32 $0x2, s0;
	s11 =	smul.u32 $0x62, s4  }
0xc: {  	_ =	strace $0x80000047;
	s7 =	sshrl.u32 s0, $0x1;
	s31 =	smul.u32 $0x18800, s4  }
0xd: {  	s8 =	smul.u32 $0xC4000, s4;
	s0 =	ssub.s32 s0, s7;
	s7 =	simm.s32 $0x17300  }
0xe: {  	s6 =	sshrl.u32 s6, $0x3;
	s9 =	sadd.s32 $0x2, s11;
	s0 =	smax.u32 s0, $0x1  }
0xf: {  	s11 =	sadd.s32 $0x3, s11;
	s6 =	sadd.s32 s3, s6;
	[dreg:$0x6] =	wrdreg s0  }
0x10: {  	s13 =	sor.u32 $0x400, s31;
	[dreg:$0x4] =	wrdreg s6;
	s6 =	sadd.s32 $0x2C, s6  }
0x11: {  	s0 =	simm.s32 $0x14300;
	[dreg:$0x5] =	wrdreg s6;
	s6 =	simm.s32 $0x5  }
.LBB2_1:
0x12: {  	[dreg:$0x7] =	wrdreg s12  }
0x13: {  	s4 =	simm.s32 $0x0;
	s28 =	rddreg [dreg:$0x4];
	s29 =	simm.s32 $0x7  }
0x14: {  	[tilespmem:s4], [sflag:$0x7] =	stream.linear.gather [hbm4b:s28+s4], $0x160, $0x38;
	[tilespmem:$0x18300] =	vst v63  }
0x15: {  	_ =	swait.ge [sflag:s29], $0x160  }
0x16: {  	[sflag:s29] =	ssyncset.done $0x0  }
0x17: {  	[sflag:s29] =	ssyncadd.s32 $0xFFFFFEA0  }
0x18: {  	[tilespmem:s16], [sflag:$0x1] =	stream.indirect.gather [hbm4b:s1+s15], $0x80, s4, s15, $0xb8;
	[tilespmem:$0x18300] =	vst v63  }
0x19: {  	s30 =	simm.s32 $0x2300  }
0x1a: {  	[tilespmem:s30], [sflag:$0x1] =	stream.indirect.gather [hbm4b:s1+s17], $0x80, s15, s17, $0xb8;
	[tilespmem:$0x18300] =	vst v63  }
0x1b: {  	s31 =	simm.s32 $0xA0;
	s28 =	simm.s32 $0x6300  }
0x1c: {  	[tilespmem:s28], [sflag:$0x1] =	stream.indirect.gather [hbm4b:s1+s17], $0x80, s31, s17, $0xb8;
	[tilespmem:$0x18300] =	vst v63  }
0x1d: {  	s29 =	simm.s32 $0x120;
	s30 =	simm.s32 $0xA300  }
0x1e: {  	[tilespmem:s30], [sflag:$0x1] =	stream.indirect.gather [hbm4b:s1+s21], $0x80, s29, s21, $0xb8;
	[tilespmem:$0x18300] =	vst v63  }
0x1f: {  	s31 =	rddreg [dreg:$0x5]  }
0x20: {  	[tilespmem:s24], [sflag:$0x8] =	stream.linear.gather [hbm4b:s31+s4], $0x160, $0x38;
	[tilespmem:$0x18300] =	vst v63  }
0x21: {  	s4 =	simm.s32 $0x0  }
.LBB2_2:
0x22: {  	_ =	swait.ge [sflag:s25], $0x160  }
0x23: {  	p0 =	seq.s32 s4, $0x0;
	[sflag:s25] =	ssyncset.done $0x0  }
0x24: {  	s12 =	simm.s32 @!p0 $0x4;
	[sflag:s25] =	ssyncadd.s32 $0xFFFFFEA0  }
0x25: {  	_ =	swait.ge @!p0 [sflag:s12], $0x1000  }
0x26: {  	[sflag:s12] =	ssyncset.done @!p0 $0x0  }
0x27: {  	[sflag:s12] =	ssyncadd.s32 @!p0 $0xFFFFF000  }
0x28: {  	[tilespmem:s26], [sflag:$0x2] =	stream.indirect.gather [hbm4b:s1+s15], $0x80, s24, s15, $0xb8;
	[tilespmem:$0x18300] =	vst v63  }
0x29: {  	s28 =	simm.s32 $0xC300;
	s12 =	simm.s32 $0x1A0  }
0x2a: {  	[tilespmem:s28], [sflag:$0x2] =	stream.indirect.gather [hbm4b:s1+s17], $0x80, s12, s17, $0xb8;
	[tilespmem:$0x18300] =	vst v63  }
0x2b: {  	s12 =	simm.s32 $0x220;
	s28 =	simm.s32 $0x10300  }
0x2c: {  	[tilespmem:s28], [sflag:$0x2] =	stream.indirect.gather [hbm4b:s1+s17], $0x80, s12, s17, $0xb8;
	[tilespmem:$0x18300] =	vst v63  }
0x2d: {  	_ = 	snop  }
0x2e: {  	[tilespmem:s0], [sflag:$0x2] =	stream.indirect.gather [hbm4b:s1+s21], $0x80, s2, s21, $0xb8;
	[tilespmem:$0x18300] =	vst v63  }
0x2f: {  	_ =	swait.ge [sflag:s18], $0x1000  }
0x30: {  	p0 =	seq.s32 s4, $0x30;
	[sflag:s18] =	ssyncset.done $0x0  }
0x31: {  	p1 =	seq.s32 @!p0 s4, $0x0;
	s12 =	sshll.u32 s4, $0xE;
	[sflag:s18] =	ssyncadd.s32 $0xFFFFF000  }
0x32: {  	s28 =	sadd.s32 s8, s12;
	s12 =	sshll.u32 @!p0 s4, $0x1;
	_ =	swait.ge [sflag:s18], $0xA000  }
0x33: {  	s28 =	sshrl.u32 s28, $0x3;
	s29 =	sadd.s32 @!p0 s12, s9;
	[sflag:s18] =	ssyncset.done $0x0  }
0x34: {  	s30 =	sadd.s32 s5, s28;
	s29 =	smul.u32 @!p0 $0x2C, s29;
	[sflag:s18] =	ssyncadd.s32 $0xFFFF6000  }
0x35: {  	[hbm4b:s30+s19] =	stream.strided.scatter [tilespmem:s16], [sflag:$0x3], $0x1000, s20, s19, $0x38;
	[tilespmem:$0x18300] =	vst v63  }
0x36: {  	p1 =	por p0, !p1;
	s29 =	sadd.s32 @!p0 s3, s29;
	s30 =	simm.s32 @!p0 $0x0  }
0x37: {  	[tilespmem:s30], [sflag:$0x7] =	stream.linear.gather @!p0 [hbm4b:s29+s30], $0x160, $0x38;
	[tilespmem:$0x18300] =	vst v63  }
0x38: {  	_ =	swait.ge @p1 [sflag:s6], $0x1000  }
0x39: {  	[sflag:s6] =	ssyncset.done @p1 $0x0  }
0x3a: {  	s29 =	simm.s32 $0x0;
	[sflag:s6] =	ssyncadd.s32 @p1 $0xFFFFF000  }
0x3b: {  	v0 =	vld [tilespmem:s29+$0x2370]  }
0x3c: {  	v1 =	vld [tilespmem:s29+$0x3370]  }
0x3d: {  	v2 =	vld [tilespmem:s29+$0x2300]  }
0x3e: {  	v3 =	vld [tilespmem:s29+$0x4370]  }
0x3f: {  	v4 =	vld [tilespmem:s29+$0x3300]  }
0x40: {  	v5 =	vld [tilespmem:s29+$0x5370]  }
0x41: {  	v6 =	vld [tilespmem:s29+$0x2310]  }
0x42: {  	v7 =	vld [tilespmem:s29+$0x3310]  }
0x43: {  	v8 =	vld [tilespmem:s29+$0x2320]  }
0x44: {  	v9 =	vld [tilespmem:s29+$0x3320]  }
0x45: {  	v10 =	vld [tilespmem:s29+$0x2330]  }
0x46: {  	v11 =	vld [tilespmem:s29+$0x3330]  }
0x47: {  	v12 =	vld [tilespmem:s29+$0x2340]  }
0x48: {  	v13 =	vld [tilespmem:s29+$0x2350]  }
0x49: {  	v14 =	vld [tilespmem:s29+$0x2360]  }
0x4a: {  	v15 =	vld [tilespmem:s29+$0x4300]  }
0x4b: {  	v16 =	vld [tilespmem:s29+$0x4310]  }
0x4c: {  	v17 =	vld [tilespmem:s29+$0x4320]  }
0x4d: {  	v18 =	vld [tilespmem:s29+$0x4340]  }
0x4e: {  	v19 =	vld [tilespmem:s29+$0x4350]  }
0x4f: {  	v20 =	vld [tilespmem:s29+$0x4360]  }
0x50: {  	v21 =	vld [tilespmem:s29+$0x5300]  }
0x51: {  	v22 =	vld [tilespmem:s29+$0x5310]  }
0x52: {  	v23 =	vld [tilespmem:s29+$0x5320]  }
0x53: {  	v24 =	vld [tilespmem:s29+$0x5330]  }
0x54: {  	v25 =	vld [tilespmem:s29+$0x5340]  }
0x55: {  	v26 =	vld [tilespmem:s29+$0x5350]  }
0x56: {  	v27 =	vld [tilespmem:s29+$0x5360]  }
0x57: {  	v28 =	vld [tilespmem:s29+$0x6300]  }
0x58: {  	v29 =	vld [tilespmem:s29+$0x6310]  }
0x59: {  	v30 =	vld [tilespmem:s29+$0x6320]  }
0x5a: {  	v31 =	vld [tilespmem:s29+$0x6330]  }
0x5b: {  	v32 =	vld [tilespmem:s29+$0x6340]  }
0x5c: {  	v33 =	vld [tilespmem:s29+$0x6350]  }
0x5d: {  	v34 =	vld [tilespmem:s29+$0x6360]  }
0x5e: {  	v35 =	vld [tilespmem:s29+$0x7300]  }
0x5f: {  	v36 =	vld [tilespmem:s29+$0x7310]  }
0x60: {  	v37 =	vld [tilespmem:s29+$0x7320]  }
0x61: {  	v38 =	vld [tilespmem:s29+$0x7330]  }
0x62: {  	v39 =	vld [tilespmem:s29+$0x7340]  }
0x63: {  	v40 =	vld [tilespmem:s29+$0x7350];
	v0 =	vadd.f32 v1, v0  }
0x64: {  	v1 =	vld [tilespmem:s29+$0x6370]  }
0x65: {  	v45 =	vld [tilespmem:s29+$0x8330];
	v0 =	vadd.f32 v3, v0  }
0x66: {  	v3 =	vld [tilespmem:s29+$0x7370]  }
0x67: {  	v46 =	vld [tilespmem:s29+$0x8350];
	v0 =	vadd.f32 v5, v0  }
0x68: {  	v5 =	vld [tilespmem:s29+$0x8370]  }
0x69: {  	v47 =	vld [tilespmem:s29+$0x8360];
	v0 =	vadd.f32 v1, v0  }
0x6a: {  	v1 =	vld [tilespmem:s29+$0x9370]  }
0x6b: {  	v48 =	vld [tilespmem:s29+$0x9300];
	v2 =	vadd.f32 v4, v2;
	v0 =	vadd.f32 v3, v0  }
0x6c: {  	v6 =	vadd.f32 v7, v6;
	v7 =	vadd.f32 v9, v8;
	v3 =	vld [tilespmem:s29+$0xA370]  }
0x6d: {  	v49 =	vld [tilespmem:s29+$0x9310];
	v9 =	vadd.f32 v11, v10;
	v0 =	vadd.f32 v5, v0  }
0x6e: {  	v2 =	vadd.f32 v15, v2;
	v6 =	vadd.f32 v16, v6;
	v5 =	vld [tilespmem:s29+$0xB370]  }
0x6f: {  	v50 =	vld [tilespmem:s29+$0x9320];
	v7 =	vadd.f32 v17, v7;
	v0 =	vadd.f32 v1, v0  }
0x70: {  	v8 =	vld [tilespmem:s29+$0x8300];
	v2 =	vadd.f32 v21, v2;
	v6 =	vadd.f32 v22, v6  }
0x71: {  	v10 =	vld [tilespmem:s29+$0x8310];
	v7 =	vadd.f32 v23, v7;
	v0 =	vadd.f32 v3, v0  }
0x72: {  	v11 =	vld [tilespmem:s29+$0x8320];
	v2 =	vadd.f32 v28, v2;
	v6 =	vadd.f32 v29, v6  }
0x73: {  	v55 =	vld [tilespmem:s29+$0xA300];
	v7 =	vadd.f32 v30, v7;
	v0 =	vadd.f32 v5, v0  }
0x74: {  	v2 =	vadd.f32 v35, v2;
	v6 =	vadd.f32 v36, v6;
	v3 =	vld [tilespmem:s29+$0x3350]  }
0x75: {  	v7 =	vadd.f32 v37, v7;
	v1 =	vld [tilespmem:s29+$0x3340];
	v0 =	vmul.f32 $1.000000010e-01, v0  }
0x76: {  	v2 =	vadd.f32 v8, v2;
	v6 =	vadd.f32 v10, v6;
	v5 =	vld [tilespmem:s29+$0x3360]  }
0x77: {  	v7 =	vadd.f32 v11, v7;
	[tilespmem:s29+$0x16370] =	vst v0;
	v0 =	vld [tilespmem:s29+$0x4330]  }
0x78: {  	v51 =	vld [tilespmem:s29+$0x9330];
	v2 =	vadd.f32 v48, v2;
	v6 =	vadd.f32 v49, v6  }
0x79: {  	v52 =	vld [tilespmem:s29+$0x9340];
	v7 =	vadd.f32 v50, v7;
	v3 =	vadd.f32 v3, v13  }
0x7a: {  	v53 =	vld [tilespmem:s29+$0x9350];
	v2 =	vadd.f32 v55, v2;
	v1 =	vadd.f32 v1, v12  }
0x7b: {  	v54 =	vld [tilespmem:s29+$0x9360];
	v5 =	vadd.f32 v5, v14;
	v3 =	vadd.f32 v19, v3  }
0x7c: {  	v56 =	vld [tilespmem:s29+$0xA310];
	v1 =	vadd.f32 v18, v1;
	v0 =	vadd.f32 v0, v9  }
0x7d: {  	v57 =	vld [tilespmem:s29+$0xA360];
	v5 =	vadd.f32 v20, v5;
	v3 =	vadd.f32 v26, v3  }
0x7e: {  	v4 =	vld [tilespmem:s29+$0x7360];
	v1 =	vadd.f32 v25, v1;
	v0 =	vadd.f32 v24, v0  }
0x7f: {  	v9 =	vld [tilespmem:s29+$0x8340];
	v5 =	vadd.f32 v27, v5;
	v3 =	vadd.f32 v33, v3  }
0x80: {  	v58 =	vld [tilespmem:s29+$0xB300];
	v1 =	vadd.f32 v32, v1;
	v0 =	vadd.f32 v31, v0  }
0x81: {  	v59 =	vld [tilespmem:s29+$0xB310];
	v5 =	vadd.f32 v34, v5;
	v3 =	vadd.f32 v40, v3  }
0x82: {  	v10 =	vld [tilespmem:s29+$0xA330];
	v1 =	vadd.f32 v39, v1;
	v0 =	vadd.f32 v38, v0  }
0x83: {  	v4 =	vadd.f32 v4, v5;
	v5 =	vld [tilespmem:s29+$0xA320];
	v3 =	vadd.f32 v46, v3  }
0x84: {  	v1 =	vadd.f32 v9, v1;
	v9 =	vld [tilespmem:s29+$0xA350];
	v0 =	vadd.f32 v45, v0  }
0x85: {  	v61 =	vld [tilespmem:s29+$0xB320];
	v62 =	vadd.f32 v56, v6;
	v4 =	vadd.f32 v47, v4  }
0x86: {  	v11 =	vld [tilespmem:s29+$0xA340];
	v60 =	vadd.f32 v53, v3;
	v0 =	vadd.f32 v51, v0  }
0x87: {  	v8 =	vld [tilespmem:s29+$0xB330];
	v1 =	vadd.f32 v52, v1;
	v4 =	vadd.f32 v54, v4  }
0x88: {  	v63 =	vadd.f32 v5, v7;
	v7 =	vld [tilespmem:s29+$0xB340];
	v6 =	vadd.f32 v10, v0  }
0x89: {  	v5 =	vld [tilespmem:s29+$0xB350];
	v10 =	vadd.f32 v58, v2;
	v2 =	vadd.f32 v9, v60  }
0x8a: {  	s31 =	simm.s32 $0x80;
	v0 =	vadd.f32 v57, v4;
	v4 =	vld [tilespmem:s29+$0xB360];
	v9 =	vadd.f32 v59, v62  }
0x8b: {  	s30 =	simm.s32 $0x400;
	v3 =	vadd.f32 v11, v1;
	v1 =	vld [tilespmem:s31+$0x2370];
	v11 =	vmul.f32 $1.000000010e-01, v10;
	v10 =	vadd.f32 v61, v63  }
.LBB2_3:
0x8c: {  	p2 =	sne.s32 s30, $0x3E00;
	v12 =	vld [tilespmem:s31+$0x3370];
	v9 =	vmul.f32 $1.000000010e-01, v9;
	v6 =	vadd.f32 v8, v6  }
0x8d: {  	v8 =	vld [tilespmem:s31+$0x2300];
	[tilespmem:s29+$0x16300] =	vst v11;
	v10 =	vmul.f32 $1.000000010e-01, v10;
	v3 =	vadd.f32 v7, v3  }
0x8e: {  	v7 =	vld [tilespmem:s31+$0x4370];
	[tilespmem:s29+$0x16310] =	vst v9;
	v6 =	vmul.f32 $1.000000010e-01, v6;
	v2 =	vadd.f32 v5, v2  }
0x8f: {  	v5 =	vld [tilespmem:s31+$0x3300];
	[tilespmem:s29+$0x16320] =	vst v10;
	v3 =	vmul.f32 $1.000000010e-01, v3;
	v0 =	vadd.f32 v4, v0  }
0x90: {  	v4 =	vld [tilespmem:s31+$0x5370];
	[tilespmem:s29+$0x16330] =	vst v6;
	v2 =	vmul.f32 $1.000000010e-01, v2  }
0x91: {  	v6 =	vld [tilespmem:s31+$0x2310];
	v1 =	vadd.f32 v12, v1;
	[tilespmem:s29+$0x16340] =	vst v3;
	v0 =	vmul.f32 $1.000000010e-01, v0  }
0x92: {  	v3 =	vld [tilespmem:s31+$0x6370];
	[tilespmem:s29+$0x16350] =	vst v2  }
0x93: {  	v2 =	vld [tilespmem:s31+$0x3310];
	v1 =	vadd.f32 v7, v1;
	[tilespmem:s29+$0x16360] =	vst v0;
	s29 =	smov.u32 s31  }
0x94: {  	v0 =	vadd.f32 v5, v8;
	v5 =	vld [tilespmem:s29+$0x7370]  }
0x95: {  	v7 =	vld [tilespmem:s29+$0x2320];
	v1 =	vadd.f32 v4, v1  }
0x96: {  	v4 =	vld [tilespmem:s29+$0x8370]  }
0x97: {  	v8 =	vld [tilespmem:s29+$0x3320];
	v1 =	vadd.f32 v3, v1  }
0x98: {  	v2 =	vadd.f32 v2, v6;
	v3 =	vld [tilespmem:s29+$0x9370]  }
0x99: {  	v6 =	vld [tilespmem:s29+$0x2330];
	v1 =	vadd.f32 v5, v1  }
0x9a: {  	v5 =	vld [tilespmem:s29+$0xA370]  }
0x9b: {  	v9 =	vld [tilespmem:s29+$0x3330];
	v1 =	vadd.f32 v4, v1  }
0x9c: {  	v4 =	vadd.f32 v8, v7;
	v7 =	vld [tilespmem:s29+$0xB370]  }
0x9d: {  	v8 =	vld [tilespmem:s29+$0x2340];
	v1 =	vadd.f32 v3, v1  }
0x9e: {  	v3 =	vld [tilespmem:s29+$0x3340]  }
0x9f: {  	v10 =	vld [tilespmem:s29+$0x2350];
	v1 =	vadd.f32 v5, v1  }
0xa0: {  	v5 =	vadd.f32 v9, v6;
	v6 =	vld [tilespmem:s29+$0x3350]  }
0xa1: {  	v9 =	vld [tilespmem:s29+$0x2360];
	v1 =	vadd.f32 v7, v1  }
0xa2: {  	v7 =	vld [tilespmem:s29+$0x3360]  }
0xa3: {  	v11 =	vld [tilespmem:s29+$0x4300];
	v3 =	vadd.f32 v3, v8;
	v1 =	vmul.f32 $1.000000010e-01, v1  }
0xa4: {  	v8 =	vld [tilespmem:s29+$0x4310]  }
0xa5: {  	v12 =	vld [tilespmem:s29+$0x4320];
	v6 =	vadd.f32 v6, v10;
	[tilespmem:s29+$0x16370] =	vst v1  }
0xa6: {  	v1 =	vld [tilespmem:s29+$0x4330]  }
0xa7: {  	v10 =	vld [tilespmem:s29+$0x4340];
	v7 =	vadd.f32 v7, v9  }
0xa8: {  	v0 =	vadd.f32 v11, v0;
	v9 =	vld [tilespmem:s29+$0x4350]  }
0xa9: {  	v2 =	vadd.f32 v8, v2;
	v8 =	vld [tilespmem:s29+$0x4360]  }
0xaa: {  	v11 =	vld [tilespmem:s29+$0x5300];
	v4 =	vadd.f32 v12, v4  }
0xab: {  	v12 =	vld [tilespmem:s29+$0x5310];
	v1 =	vadd.f32 v1, v5  }
0xac: {  	v5 =	vld [tilespmem:s29+$0x5320];
	v3 =	vadd.f32 v10, v3  }
0xad: {  	v10 =	vld [tilespmem:s29+$0x5330];
	v6 =	vadd.f32 v9, v6  }
0xae: {  	v9 =	vld [tilespmem:s29+$0x5340];
	v7 =	vadd.f32 v8, v7  }
0xaf: {  	v0 =	vadd.f32 v11, v0;
	v8 =	vld [tilespmem:s29+$0x5350]  }
0xb0: {  	v2 =	vadd.f32 v12, v2;
	v11 =	vld [tilespmem:s29+$0x5360]  }
0xb1: {  	v12 =	vld [tilespmem:s29+$0x6300];
	v4 =	vadd.f32 v5, v4  }
0xb2: {  	v5 =	vld [tilespmem:s29+$0x6310];
	v1 =	vadd.f32 v10, v1  }
0xb3: {  	v10 =	vld [tilespmem:s29+$0x6320];
	v3 =	vadd.f32 v9, v3  }
0xb4: {  	v9 =	vld [tilespmem:s29+$0x6330];
	v6 =	vadd.f32 v8, v6  }
0xb5: {  	v8 =	vld [tilespmem:s29+$0x6340];
	v7 =	vadd.f32 v11, v7  }
0xb6: {  	v0 =	vadd.f32 v12, v0;
	v11 =	vld [tilespmem:s29+$0x6350]  }
0xb7: {  	v2 =	vadd.f32 v5, v2;
	v5 =	vld [tilespmem:s29+$0x6360]  }
0xb8: {  	v12 =	vld [tilespmem:s29+$0x7300];
	v4 =	vadd.f32 v10, v4  }
0xb9: {  	v10 =	vld [tilespmem:s29+$0x7310];
	v1 =	vadd.f32 v9, v1  }
0xba: {  	v9 =	vld [tilespmem:s29+$0x7320];
	v3 =	vadd.f32 v8, v3  }
0xbb: {  	v8 =	vld [tilespmem:s29+$0x7330];
	v6 =	vadd.f32 v11, v6  }
0xbc: {  	v11 =	vld [tilespmem:s29+$0x7340];
	v5 =	vadd.f32 v5, v7  }
0xbd: {  	v0 =	vadd.f32 v12, v0;
	v7 =	vld [tilespmem:s29+$0x7350]  }
0xbe: {  	v2 =	vadd.f32 v10, v2;
	v10 =	vld [tilespmem:s29+$0x7360]  }
0xbf: {  	v12 =	vld [tilespmem:s29+$0x8300];
	v4 =	vadd.f32 v9, v4  }
0xc0: {  	v9 =	vld [tilespmem:s29+$0x8310];
	v1 =	vadd.f32 v8, v1  }
0xc1: {  	v8 =	vld [tilespmem:s29+$0x8320];
	v3 =	vadd.f32 v11, v3  }
0xc2: {  	v11 =	vld [tilespmem:s29+$0x8330];
	v6 =	vadd.f32 v7, v6  }
0xc3: {  	v7 =	vld [tilespmem:s29+$0x8340];
	v5 =	vadd.f32 v10, v5  }
0xc4: {  	v0 =	vadd.f32 v12, v0;
	v10 =	vld [tilespmem:s29+$0x8350]  }
0xc5: {  	v2 =	vadd.f32 v9, v2;
	v9 =	vld [tilespmem:s29+$0x8360]  }
0xc6: {  	v12 =	vld [tilespmem:s29+$0x9300];
	v4 =	vadd.f32 v8, v4  }
0xc7: {  	v8 =	vld [tilespmem:s29+$0x9310];
	v1 =	vadd.f32 v11, v1  }
0xc8: {  	v11 =	vld [tilespmem:s29+$0x9320];
	v3 =	vadd.f32 v7, v3  }
0xc9: {  	v7 =	vld [tilespmem:s29+$0x9330];
	v6 =	vadd.f32 v10, v6  }
0xca: {  	v10 =	vld [tilespmem:s29+$0x9340];
	v5 =	vadd.f32 v9, v5  }
0xcb: {  	v0 =	vadd.f32 v12, v0;
	v9 =	vld [tilespmem:s29+$0x9350]  }
0xcc: {  	v2 =	vadd.f32 v8, v2;
	v8 =	vld [tilespmem:s29+$0x9360]  }
0xcd: {  	v12 =	vld [tilespmem:s29+$0xA300];
	v4 =	vadd.f32 v11, v4  }
0xce: {  	v11 =	vld [tilespmem:s29+$0xA310];
	v1 =	vadd.f32 v7, v1  }
0xcf: {  	v7 =	vld [tilespmem:s29+$0xA320];
	v3 =	vadd.f32 v10, v3  }
0xd0: {  	v10 =	vld [tilespmem:s29+$0xA330];
	v9 =	vadd.f32 v9, v6  }
0xd1: {  	v13 =	vld [tilespmem:s29+$0xA340];
	v5 =	vadd.f32 v8, v5  }
0xd2: {  	v12 =	vadd.f32 v12, v0;
	v0 =	vld [tilespmem:s29+$0xA350]  }
0xd3: {  	v11 =	vadd.f32 v11, v2;
	v14 =	vld [tilespmem:s29+$0xA360]  }
0xd4: {  	v15 =	vld [tilespmem:s29+$0xB300];
	v16 =	vadd.f32 v7, v4  }
0xd5: {  	v4 =	vld [tilespmem:s29+$0xB310];
	v6 =	vadd.f32 v10, v1  }
0xd6: {  	v10 =	vld [tilespmem:s29+$0xB320];
	v3 =	vadd.f32 v13, v3  }
.Ltmp0:
0xd7: {  	v8 =	vld [tilespmem:s29+$0xB330];
	v2 =	vadd.f32 v0, v9;
	(pc) =	sbr.rel @p2 .LBB2_3-.Ltmp0, $4  }
0xd8: {  	v7 =	vld [tilespmem:s29+$0xB340];
	v0 =	vadd.f32 v14, v5  }
0xd9: {  	v12 =	vadd.f32 v15, v12;
	v5 =	vld [tilespmem:s29+$0xB350]  }
0xda: {  	s31 =	sshra.s32 s30, $0x2;
	v9 =	vadd.f32 v4, v11;
	v4 =	vld [tilespmem:s29+$0xB360]  }
0xdb: {  	s30 =	sadd.s32 $0x200, s30;
	v1 =	vld [tilespmem:s31+$0x2370];
	v11 =	vmul.f32 $1.000000010e-01, v12;
	v10 =	vadd.f32 v10, v16  }
0xdc: {  	v12 =	vld [tilespmem:s31+$0x3370];
	v9 =	vmul.f32 $1.000000010e-01, v9;
	v6 =	vadd.f32 v8, v6  }
0xdd: {  	v13 =	vld [tilespmem:s31+$0x2300];
	[tilespmem:s29+$0x16300] =	vst v11;
	v8 =	vmul.f32 $1.000000010e-01, v10;
	v3 =	vadd.f32 v7, v3  }
0xde: {  	v11 =	vld [tilespmem:s31+$0x4370];
	[tilespmem:s29+$0x16310] =	vst v9;
	v6 =	vmul.f32 $1.000000010e-01, v6;
	v2 =	vadd.f32 v5, v2  }
0xdf: {  	v9 =	vld [tilespmem:s31+$0x3300];
	[tilespmem:s29+$0x16320] =	vst v8;
	v3 =	vmul.f32 $1.000000010e-01, v3;
	v0 =	vadd.f32 v4, v0  }
0xe0: {  	v7 =	vld [tilespmem:s31+$0x5370];
	[tilespmem:s29+$0x16330] =	vst v6;
	v2 =	vmul.f32 $1.000000010e-01, v2  }
0xe1: {  	v5 =	vld [tilespmem:s31+$0x2310];
	[tilespmem:s29+$0x16340] =	vst v3;
	v0 =	vmul.f32 $1.000000010e-01, v0  }
0xe2: {  	v1 =	vadd.f32 v12, v1;
	v3 =	vld [tilespmem:s31+$0x6370];
	[tilespmem:s29+$0x16350] =	vst v2  }
0xe3: {  	v2 =	vld [tilespmem:s31+$0x3310];
	[tilespmem:s29+$0x16360] =	vst v0  }
0xe4: {  	v0 =	vadd.f32 v11, v1;
	v1 =	vld [tilespmem:s31+$0x7370]  }
0xe5: {  	v4 =	vld [tilespmem:s31+$0x2320]  }
0xe6: {  	v6 =	vld [tilespmem:s31+$0x8370]  }
0xe7: {  	v8 =	vld [tilespmem:s31+$0x2330]  }
0xe8: {  	v10 =	vld [tilespmem:s31+$0x3330]  }
0xe9: {  	v11 =	vld [tilespmem:s31+$0x2340]  }
0xea: {  	v57 =	vld [tilespmem:s31+$0x2350]  }
0xeb: {  	v14 =	vld [tilespmem:s31+$0x2360]  }
0xec: {  	v15 =	vld [tilespmem:s31+$0x4300]  }
0xed: {  	v16 =	vld [tilespmem:s31+$0x4310]  }
0xee: {  	v17 =	vld [tilespmem:s31+$0x4320]  }
0xef: {  	v18 =	vld [tilespmem:s31+$0x4340]  }
0xf0: {  	v19 =	vld [tilespmem:s31+$0x4350]  }
0xf1: {  	v20 =	vld [tilespmem:s31+$0x4360]  }
0xf2: {  	v21 =	vld [tilespmem:s31+$0x5300]  }
0xf3: {  	v22 =	vld [tilespmem:s31+$0x5310]  }
0xf4: {  	v23 =	vld [tilespmem:s31+$0x5320]  }
0xf5: {  	v24 =	vld [tilespmem:s31+$0x5330]  }
0xf6: {  	v25 =	vld [tilespmem:s31+$0x5340]  }
0xf7: {  	v26 =	vld [tilespmem:s31+$0x5350]  }
0xf8: {  	v27 =	vld [tilespmem:s31+$0x5360]  }
0xf9: {  	v28 =	vld [tilespmem:s31+$0x6300]  }
0xfa: {  	v29 =	vld [tilespmem:s31+$0x6310]  }
0xfb: {  	v30 =	vld [tilespmem:s31+$0x6320]  }
0xfc: {  	v31 =	vld [tilespmem:s31+$0x6330]  }
0xfd: {  	v32 =	vld [tilespmem:s31+$0x6340]  }
0xfe: {  	v33 =	vld [tilespmem:s31+$0x6350]  }
0xff: {  	v34 =	vld [tilespmem:s31+$0x6360]  }
0x100: {  	v35 =	vld [tilespmem:s31+$0x7300]  }
0x101: {  	v36 =	vld [tilespmem:s31+$0x7310]  }
0x102: {  	v37 =	vld [tilespmem:s31+$0x7320]  }
0x103: {  	v38 =	vld [tilespmem:s31+$0x7330]  }
0x104: {  	v39 =	vld [tilespmem:s31+$0x7340]  }
0x105: {  	v40 =	vld [tilespmem:s31+$0x7350]  }
0x106: {  	v41 =	vld [tilespmem:s31+$0x7360]  }
0x107: {  	v58 =	vld [tilespmem:s31+$0x8300];
	v0 =	vadd.f32 v7, v0  }
0x108: {  	v59 =	vld [tilespmem:s31+$0x8360]  }
0x109: {  	v7 =	vld [tilespmem:s31+$0x3320];
	v0 =	vadd.f32 v3, v0  }
0x10a: {  	v3 =	vld [tilespmem:s31+$0x9370]  }
0x10b: {  	v60 =	vld [tilespmem:s31+$0x9300];
	v0 =	vadd.f32 v1, v0  }
0x10c: {  	v9 =	vadd.f32 v9, v13;
	v1 =	vld [tilespmem:s31+$0xA370]  }
0x10d: {  	v61 =	vld [tilespmem:s31+$0x9310];
	v2 =	vadd.f32 v2, v5;
	v0 =	vadd.f32 v6, v0  }
0x10e: {  	v9 =	vadd.f32 v15, v9;
	v4 =	vadd.f32 v7, v4;
	v6 =	vld [tilespmem:s31+$0xB370]  }
0x10f: {  	v62 =	vld [tilespmem:s31+$0x9320];
	v7 =	vadd.f32 v10, v8;
	v0 =	vadd.f32 v3, v0  }
0x110: {  	v63 =	vld [tilespmem:s31+$0x9330];
	v2 =	vadd.f32 v16, v2;
	v9 =	vadd.f32 v21, v9  }
0x111: {  	v5 =	vld [tilespmem:s31+$0x8310];
	v4 =	vadd.f32 v17, v4;
	v0 =	vadd.f32 v1, v0  }
0x112: {  	v2 =	vadd.f32 v22, v2;
	v3 =	vld [tilespmem:s31+$0x3340];
	v9 =	vadd.f32 v28, v9  }
0x113: {  	v8 =	vld [tilespmem:s31+$0x8320];
	v4 =	vadd.f32 v23, v4;
	v0 =	vadd.f32 v6, v0  }
0x114: {  	v2 =	vadd.f32 v29, v2;
	v1 =	vld [tilespmem:s31+$0x3350];
	v9 =	vadd.f32 v35, v9  }
0x115: {  	v35 =	vld [tilespmem:s31+$0xA300];
	v4 =	vadd.f32 v30, v4;
	v0 =	vmul.f32 $1.000000010e-01, v0  }
0x116: {  	v2 =	vadd.f32 v36, v2;
	v6 =	vld [tilespmem:s31+$0x3360];
	v9 =	vadd.f32 v58, v9  }
0x117: {  	v3 =	vadd.f32 v3, v11;
	v4 =	vadd.f32 v37, v4;
	[tilespmem:s31+$0x16370] =	vst v0;
	v0 =	vld [tilespmem:s31+$0x4330]  }
0x118: {  	v42 =	vld [tilespmem:s31+$0xB320];
	v2 =	vadd.f32 v5, v2;
	v9 =	vadd.f32 v60, v9  }
0x119: {  	v43 =	vld [tilespmem:s31+$0xB330];
	v1 =	vadd.f32 v1, v57;
	v3 =	vadd.f32 v18, v3  }
0x11a: {  	v44 =	vld [tilespmem:s31+$0xB340];
	v4 =	vadd.f32 v8, v4;
	v2 =	vadd.f32 v61, v2  }
0x11b: {  	v10 =	vld [tilespmem:s31+$0x8330];
	v9 =	vadd.f32 v35, v9;
	v6 =	vadd.f32 v6, v14  }
0x11c: {  	v29 =	vld [tilespmem:s31+$0x9340];
	v3 =	vadd.f32 v25, v3;
	v0 =	vadd.f32 v0, v7  }
0x11d: {  	v11 =	vld [tilespmem:s31+$0x8340];
	v1 =	vadd.f32 v19, v1;
	v4 =	vadd.f32 v62, v4  }
0x11e: {  	v37 =	vld [tilespmem:s31+$0xA310];
	v3 =	vadd.f32 v32, v3;
	v0 =	vadd.f32 v24, v0  }
0x11f: {  	v5 =	vld [tilespmem:s31+$0xA340];
	v6 =	vadd.f32 v20, v6;
	v1 =	vadd.f32 v26, v1  }
0x120: {  	v7 =	vld [tilespmem:s31+$0x8350];
	v3 =	vadd.f32 v39, v3;
	v0 =	vadd.f32 v31, v0  }
0x121: {  	v6 =	vadd.f32 v27, v6;
	v1 =	vadd.f32 v33, v1;
	v39 =	vld [tilespmem:s31+$0xA320]  }
0x122: {  	v3 =	vadd.f32 v11, v3;
	v11 =	vld [tilespmem:s31+$0xB310];
	v0 =	vadd.f32 v38, v0  }
0x123: {  	v2 =	vadd.f32 v37, v2;
	v6 =	vadd.f32 v34, v6;
	v31 =	vld [tilespmem:s31+$0x9350]  }
0x124: {  	v1 =	vadd.f32 v40, v1;
	v0 =	vadd.f32 v10, v0;
	v10 =	vld [tilespmem:s31+$0xB300]  }
0x125: {  	v6 =	vadd.f32 v41, v6;
	v41 =	vld [tilespmem:s31+$0xA330];
	v3 =	vadd.f32 v29, v3  }
0x126: {  	v33 =	vld [tilespmem:s31+$0x9360];
	v1 =	vadd.f32 v7, v1;
	v4 =	vadd.f32 v39, v4  }
0x127: {  	v8 =	vld [tilespmem:s31+$0xA350];
	v6 =	vadd.f32 v59, v6;
	v3 =	vadd.f32 v5, v3  }
0x128: {  	v7 =	vld [tilespmem:s31+$0xA360];
	v2 =	vadd.f32 v11, v2;
	v0 =	vadd.f32 v63, v0  }
0x129: {  	v4 =	vadd.f32 v42, v4;
	v9 =	vadd.f32 v10, v9;
	v10 =	vld [tilespmem:s31+$0xB350]  }
0x12a: {  	v11 =	vld [tilespmem:s31+$0xB360];
	v1 =	vadd.f32 v31, v1;
	v0 =	vadd.f32 v41, v0  }
0x12b: {  	v6 =	vadd.f32 v33, v6;
	v3 =	vadd.f32 v44, v3;
	v2 =	vmul.f32 $1.000000010e-01, v2  }
0x12c: {  	v4 =	vmul.f32 $1.000000010e-01, v4;
	v1 =	vadd.f32 v8, v1;
	v0 =	vadd.f32 v43, v0  }
0x12d: {  	v6 =	vadd.f32 v7, v6;
	[tilespmem:s31+$0x16310] =	vst v2;
	v2 =	vmul.f32 $1.000000010e-01, v3  }
0x12e: {  	[tilespmem:s31+$0x16320] =	vst v4;
	v0 =	vmul.f32 $1.000000010e-01, v0;
	v1 =	vadd.f32 v10, v1  }
0x12f: {  	v3 =	vadd.f32 v11, v6;
	[tilespmem:s31+$0x16340] =	vst v2;
	v5 =	vmul.f32 $1.000000010e-01, v9  }
0x130: {  	[tilespmem:s31+$0x16330] =	vst v0;
	v0 =	vmul.f32 $1.000000010e-01, v1  }
0x131: {  	[tilespmem:s31+$0x16300] =	vst v5;
	v1 =	vmul.f32 $1.000000010e-01, v3  }
0x132: {  	[tilespmem:s31+$0x16350] =	vst v0  }
0x133: {  	s28 =	sadd.s32 s28, s10;
	[tilespmem:s31+$0x16360] =	vst v1  }
0x134: {  	[hbm4b:s28+s19] =	stream.strided.scatter [tilespmem:s22], [sflag:$0x5], $0x1000, s20, s19, $0x38;
	[tilespmem:$0x18300] =	vst v63  }
0x135: {  	s28 =	simm.s32 @!p0 $0x7  }
0x136: {  	_ =	swait.ge @!p0 [sflag:s28], $0x160  }
0x137: {  	[sflag:s28] =	ssyncset.done @!p0 $0x0  }
0x138: {  	[sflag:s28] =	ssyncadd.s32 @!p0 $0xFFFFFEA0;
	s28 =	simm.s32 @!p0 $0x3  }
0x139: {  	_ =	swait.ge @!p0 [sflag:s28], $0x1000  }
0x13a: {  	s30 =	simm.s32 @!p0 $0x300;
	[sflag:s28] =	ssyncset.done @!p0 $0x0  }
0x13b: {  	s29 =	simm.s32 @!p0 $0x0;
	[sflag:s28] =	ssyncadd.s32 @!p0 $0xFFFFF000;
	s28 =	simm.s32 @!p0 $0x20  }
0x13c: {  	[tilespmem:s30], [sflag:$0x1] =	stream.indirect.gather @!p0 [hbm4b:s1+s28], $0x80, s29, s28, $0xb8;
	[tilespmem:$0x18300] =	vst v63  }
0x13d: {  	s31 =	simm.s32 @!p0 $0x2300;
	s30 =	simm.s32 @!p0 $0x80  }
0x13e: {  	[tilespmem:s31], [sflag:$0x1] =	stream.indirect.gather @!p0 [hbm4b:s1+s30], $0x80, s28, s30, $0xb8;
	[tilespmem:$0x18300] =	vst v63  }
0x13f: {  	s28 =	simm.s32 @!p0 $0xA0;
	s31 =	simm.s32 @!p0 $0x6300  }
0x140: {  	[tilespmem:s31], [sflag:$0x1] =	stream.indirect.gather @!p0 [hbm4b:s1+s30], $0x80, s28, s30, $0xb8;
	[tilespmem:$0x18300] =	vst v63  }
0x141: {  	s28 =	simm.s32 @!p0 $0x40;
	s30 =	simm.s32 @!p0 $0x120;
	s31 =	simm.s32 @!p0 $0xA300  }
0x142: {  	[tilespmem:s31], [sflag:$0x1] =	stream.indirect.gather @!p0 [hbm4b:s1+s28], $0x80, s30, s28, $0xb8;
	[tilespmem:$0x18300] =	vst v63  }
0x143: {  	_ =	swait.ge [sflag:s23], $0x1000  }
0x144: {  	[sflag:s23] =	ssyncset.done $0x0  }
0x145: {  	[sflag:s23] =	ssyncadd.s32 $0xFFFFF000  }
0x146: {  	s28 =	sshll.u32 s4, $0xB;
	_ =	swait.ge [sflag:s23], $0xA000  }
0x147: {  	s12 =	sadd.s32 @!p0 s12, s11;
	s28 =	sadd.s32 s13, s28;
	[sflag:s23] =	ssyncset.done $0x0  }
0x148: {  	s12 =	smul.u32 @!p0 $0x2C, s12;
	s30 =	sadd.s32 s5, s28;
	[sflag:s23] =	ssyncadd.s32 $0xFFFF6000  }
0x149: {  	[hbm4b:s30+s19] =	stream.strided.scatter [tilespmem:s26], [sflag:$0x4], $0x1000, s20, s19, $0x38;
	[tilespmem:$0x18300] =	vst v63  }
0x14a: {  	s12 =	sadd.s32 @!p0 s3, s12;
	s30 =	simm.s32 @!p0 $0x180  }
0x14b: {  	[tilespmem:s30], [sflag:$0x8] =	stream.linear.gather @!p0 [hbm4b:s12+s29], $0x160, $0x38;
	[tilespmem:$0x18300] =	vst v63  }
0x14c: {  	_ =	swait.ge @p1 [sflag:s14], $0x1000  }
0x14d: {  	[sflag:s14] =	ssyncset.done @p1 $0x0  }
0x14e: {  	s12 =	simm.s32 $0x0;
	[sflag:s14] =	ssyncadd.s32 @p1 $0xFFFFF000  }
0x14f: {  	v0 =	vld [tilespmem:s12+$0xC370]  }
0x150: {  	v1 =	vld [tilespmem:s12+$0xD370]  }
0x151: {  	v2 =	vld [tilespmem:s12+$0xC300]  }
0x152: {  	v3 =	vld [tilespmem:s12+$0xE370]  }
0x153: {  	v4 =	vld [tilespmem:s12+$0xD300]  }
0x154: {  	v5 =	vld [tilespmem:s12+$0xF370]  }
0x155: {  	v6 =	vld [tilespmem:s12+$0xC310]  }
0x156: {  	v7 =	vld [tilespmem:s12+$0xD310]  }
0x157: {  	v8 =	vld [tilespmem:s12+$0xC320]  }
0x158: {  	v9 =	vld [tilespmem:s12+$0xD320]  }
0x159: {  	v10 =	vld [tilespmem:s12+$0xC330]  }
0x15a: {  	v11 =	vld [tilespmem:s12+$0xD330]  }
0x15b: {  	v12 =	vld [tilespmem:s12+$0xC340]  }
0x15c: {  	v13 =	vld [tilespmem:s12+$0xC350]  }
0x15d: {  	v14 =	vld [tilespmem:s12+$0xC360]  }
0x15e: {  	v15 =	vld [tilespmem:s12+$0xE300]  }
0x15f: {  	v45 =	vld [tilespmem:s12+$0xE310]  }
0x160: {  	v17 =	vld [tilespmem:s12+$0xE320]  }
0x161: {  	v18 =	vld [tilespmem:s12+$0xE340]  }
0x162: {  	v46 =	vld [tilespmem:s12+$0xE350]  }
0x163: {  	v20 =	vld [tilespmem:s12+$0xE360]  }
0x164: {  	v47 =	vld [tilespmem:s12+$0xF300]  }
0x165: {  	v22 =	vld [tilespmem:s12+$0xF310]  }
0x166: {  	v48 =	vld [tilespmem:s12+$0xF320]  }
0x167: {  	v24 =	vld [tilespmem:s12+$0xF330]  }
0x168: {  	v49 =	vld [tilespmem:s12+$0xF340]  }
0x169: {  	v50 =	vld [tilespmem:s12+$0xF350]  }
0x16a: {  	v51 =	vld [tilespmem:s12+$0xF360]  }
0x16b: {  	v52 =	vld [tilespmem:s12+$0x10300]  }
0x16c: {  	v53 =	vld [tilespmem:s12+$0x10310]  }
0x16d: {  	v54 =	vld [tilespmem:s12+$0x10320]  }
0x16e: {  	v55 =	vld [tilespmem:s12+$0x10330]  }
0x16f: {  	v56 =	vld [tilespmem:s12+$0x10340]  }
0x170: {  	v57 =	vld [tilespmem:s12+$0x10350]  }
0x171: {  	v58 =	vld [tilespmem:s12+$0x10360]  }
0x172: {  	v59 =	vld [tilespmem:s12+$0x11300]  }
0x173: {  	v60 =	vld [tilespmem:s12+$0x11310]  }
0x174: {  	v61 =	vld [tilespmem:s12+$0x11320]  }
0x175: {  	v62 =	vld [tilespmem:s12+$0x11330]  }
0x176: {  	v63 =	vld [tilespmem:s12+$0x11340]  }
0x177: {  	v44 =	vld [tilespmem:s12+$0x11350];
	v0 =	vadd.f32 v1, v0  }
0x178: {  	v1 =	vld [tilespmem:s12+$0x10370]  }
0x179: {  	v2 =	vadd.f32 v4, v2;
	v4 =	vld [tilespmem:s12+$0x11360];
	v0 =	vadd.f32 v3, v0  }
0x17a: {  	v6 =	vadd.f32 v7, v6;
	v3 =	vld [tilespmem:s12+$0x11370]  }
0x17b: {  	v7 =	vadd.f32 v9, v8;
	v8 =	vld [tilespmem:s12+$0x12300];
	v0 =	vadd.f32 v5, v0  }
0x17c: {  	v5 =	vld [tilespmem:s12+$0x12370]  }
0x17d: {  	v9 =	vadd.f32 v11, v10;
	v10 =	vld [tilespmem:s12+$0x12310];
	v0 =	vadd.f32 v1, v0  }
0x17e: {  	v1 =	vld [tilespmem:s12+$0x13370]  }
0x17f: {  	v11 =	vld [tilespmem:s12+$0x12320];
	v0 =	vadd.f32 v3, v0  }
0x180: {  	v2 =	vadd.f32 v15, v2;
	v3 =	vld [tilespmem:s12+$0x14370]  }
0x181: {  	v6 =	vadd.f32 v45, v6;
	v45 =	vld [tilespmem:s12+$0x12330];
	v0 =	vadd.f32 v5, v0  }
0x182: {  	v7 =	vadd.f32 v17, v7;
	v5 =	vld [tilespmem:s12+$0x15370]  }
0x183: {  	v2 =	vadd.f32 v47, v2;
	v47 =	vld [tilespmem:s12+$0x12360];
	v0 =	vadd.f32 v1, v0  }
0x184: {  	v7 =	vadd.f32 v48, v7;
	v48 =	vld [tilespmem:s12+$0x13300]  }
0x185: {  	v6 =	vadd.f32 v22, v6;
	v1 =	vld [tilespmem:s12+$0xD340];
	v0 =	vadd.f32 v3, v0  }
0x186: {  	v2 =	vadd.f32 v52, v2;
	v52 =	vld [tilespmem:s12+$0x13340]  }
0x187: {  	v6 =	vadd.f32 v53, v6;
	v3 =	vld [tilespmem:s12+$0xD350];
	v0 =	vadd.f32 v5, v0  }
0x188: {  	v7 =	vadd.f32 v54, v7;
	v5 =	vld [tilespmem:s12+$0xD360]  }
0x189: {  	v53 =	vld [tilespmem:s12+$0x13350];
	v2 =	vadd.f32 v59, v2;
	v6 =	vadd.f32 v60, v6;
	v0 =	vmul.f32 $1.000000010e-01, v0  }
0x18a: {  	v54 =	vld [tilespmem:s12+$0x13360];
	v7 =	vadd.f32 v61, v7;
	v1 =	vadd.f32 v1, v12  }
0x18b: {  	v2 =	vadd.f32 v8, v2;
	v6 =	vadd.f32 v10, v6;
	[tilespmem:s12+$0x17370] =	vst v0;
	v0 =	vld [tilespmem:s12+$0xE330]  }
0x18c: {  	v59 =	vld [tilespmem:s12+$0x15310];
	v3 =	vadd.f32 v3, v13;
	v1 =	vadd.f32 v18, v1  }
0x18d: {  	v61 =	vld [tilespmem:s12+$0x15320];
	v7 =	vadd.f32 v11, v7;
	v5 =	vadd.f32 v5, v14  }
0x18e: {  	v3 =	vadd.f32 v46, v3;
	v1 =	vadd.f32 v49, v1;
	v49 =	vld [tilespmem:s12+$0x13310]  }
0x18f: {  	v10 =	vld [tilespmem:s12+$0x14330];
	v2 =	vadd.f32 v48, v2;
	v5 =	vadd.f32 v20, v5  }
0x190: {  	v3 =	vadd.f32 v50, v3;
	v50 =	vld [tilespmem:s12+$0x13320];
	v0 =	vadd.f32 v0, v9  }
0x191: {  	v46 =	vld [tilespmem:s12+$0x12350];
	v1 =	vadd.f32 v56, v1;
	v5 =	vadd.f32 v51, v5  }
0x192: {  	v9 =	vld [tilespmem:s12+$0x12340];
	v3 =	vadd.f32 v57, v3;
	v0 =	vadd.f32 v24, v0  }
0x193: {  	v56 =	vld [tilespmem:s12+$0x14310];
	v1 =	vadd.f32 v63, v1;
	v6 =	vadd.f32 v49, v6  }
0x194: {  	v51 =	vld [tilespmem:s12+$0x13330];
	v5 =	vadd.f32 v58, v5;
	v0 =	vadd.f32 v55, v0  }
0x195: {  	v3 =	vadd.f32 v44, v3;
	v58 =	vld [tilespmem:s12+$0x15300];
	v7 =	vadd.f32 v50, v7  }
0x196: {  	v55 =	vld [tilespmem:s12+$0x14300];
	v4 =	vadd.f32 v4, v5;
	v0 =	vadd.f32 v62, v0  }
0x197: {  	v5 =	vld [tilespmem:s12+$0x14320];
	v3 =	vadd.f32 v46, v3;
	v1 =	vadd.f32 v9, v1  }
0x198: {  	v9 =	vld [tilespmem:s12+$0x14350];
	v4 =	vadd.f32 v47, v4;
	v0 =	vadd.f32 v45, v0  }
0x199: {  	v57 =	vld [tilespmem:s12+$0x14360];
	v60 =	vadd.f32 v53, v3;
	v62 =	vadd.f32 v56, v6  }
0x19a: {  	v11 =	vld [tilespmem:s12+$0x14340];
	v1 =	vadd.f32 v52, v1;
	v0 =	vadd.f32 v51, v0  }
0x19b: {  	v8 =	vld [tilespmem:s12+$0x15330];
	v4 =	vadd.f32 v54, v4;
	v2 =	vadd.f32 v55, v2  }
0x19c: {  	v63 =	vadd.f32 v5, v7;
	v7 =	vld [tilespmem:s12+$0x15340];
	v6 =	vadd.f32 v10, v0  }
0x19d: {  	v5 =	vld [tilespmem:s12+$0x15350];
	v10 =	vadd.f32 v58, v2;
	v2 =	vadd.f32 v9, v60  }
0x19e: {  	s30 =	simm.s32 $0x80;
	v0 =	vadd.f32 v57, v4;
	v4 =	vld [tilespmem:s12+$0x15360];
	v9 =	vadd.f32 v59, v62  }
0x19f: {  	s29 =	simm.s32 $0x400;
	v3 =	vadd.f32 v11, v1;
	v1 =	vld [tilespmem:s30+$0xC370];
	v11 =	vmul.f32 $1.000000010e-01, v10;
	v10 =	vadd.f32 v61, v63  }
.LBB2_5:
0x1a0: {  	p0 =	sne.s32 s29, $0x3E00;
	v12 =	vld [tilespmem:s30+$0xD370];
	v9 =	vmul.f32 $1.000000010e-01, v9;
	v6 =	vadd.f32 v8, v6  }
0x1a1: {  	v8 =	vld [tilespmem:s30+$0xC300];
	[tilespmem:s12+$0x17300] =	vst v11;
	v10 =	vmul.f32 $1.000000010e-01, v10;
	v3 =	vadd.f32 v7, v3  }
0x1a2: {  	v7 =	vld [tilespmem:s30+$0xE370];
	[tilespmem:s12+$0x17310] =	vst v9;
	v6 =	vmul.f32 $1.000000010e-01, v6;
	v2 =	vadd.f32 v5, v2  }
0x1a3: {  	v5 =	vld [tilespmem:s30+$0xD300];
	[tilespmem:s12+$0x17320] =	vst v10;
	v3 =	vmul.f32 $1.000000010e-01, v3;
	v0 =	vadd.f32 v4, v0  }
0x1a4: {  	v4 =	vld [tilespmem:s30+$0xF370];
	[tilespmem:s12+$0x17330] =	vst v6;
	v2 =	vmul.f32 $1.000000010e-01, v2  }
0x1a5: {  	v6 =	vld [tilespmem:s30+$0xC310];
	v1 =	vadd.f32 v12, v1;
	[tilespmem:s12+$0x17340] =	vst v3;
	v0 =	vmul.f32 $1.000000010e-01, v0  }
0x1a6: {  	v3 =	vld [tilespmem:s30+$0x10370];
	[tilespmem:s12+$0x17350] =	vst v2  }
0x1a7: {  	v2 =	vld [tilespmem:s30+$0xD310];
	v1 =	vadd.f32 v7, v1;
	[tilespmem:s12+$0x17360] =	vst v0;
	s12 =	smov.u32 s30  }
0x1a8: {  	v0 =	vadd.f32 v5, v8;
	v5 =	vld [tilespmem:s12+$0x11370]  }
0x1a9: {  	v7 =	vld [tilespmem:s12+$0xC320];
	v1 =	vadd.f32 v4, v1  }
0x1aa: {  	v4 =	vld [tilespmem:s12+$0x12370]  }
0x1ab: {  	v8 =	vld [tilespmem:s12+$0xD320];
	v1 =	vadd.f32 v3, v1  }
0x1ac: {  	v2 =	vadd.f32 v2, v6;
	v3 =	vld [tilespmem:s12+$0x13370]  }
0x1ad: {  	v6 =	vld [tilespmem:s12+$0xC330];
	v1 =	vadd.f32 v5, v1  }
0x1ae: {  	v5 =	vld [tilespmem:s12+$0x14370]  }
0x1af: {  	v9 =	vld [tilespmem:s12+$0xD330];
	v1 =	vadd.f32 v4, v1  }
0x1b0: {  	v4 =	vadd.f32 v8, v7;
	v7 =	vld [tilespmem:s12+$0x15370]  }
0x1b1: {  	v8 =	vld [tilespmem:s12+$0xC340];
	v1 =	vadd.f32 v3, v1  }
0x1b2: {  	v3 =	vld [tilespmem:s12+$0xD340]  }
0x1b3: {  	v10 =	vld [tilespmem:s12+$0xC350];
	v1 =	vadd.f32 v5, v1  }
0x1b4: {  	v5 =	vadd.f32 v9, v6;
	v6 =	vld [tilespmem:s12+$0xD350]  }
0x1b5: {  	v9 =	vld [tilespmem:s12+$0xC360];
	v1 =	vadd.f32 v7, v1  }
0x1b6: {  	v7 =	vld [tilespmem:s12+$0xD360]  }
0x1b7: {  	v11 =	vld [tilespmem:s12+$0xE300];
	v3 =	vadd.f32 v3, v8;
	v1 =	vmul.f32 $1.000000010e-01, v1  }
0x1b8: {  	v8 =	vld [tilespmem:s12+$0xE310]  }
0x1b9: {  	v12 =	vld [tilespmem:s12+$0xE320];
	v6 =	vadd.f32 v6, v10;
	[tilespmem:s12+$0x17370] =	vst v1  }
0x1ba: {  	v1 =	vld [tilespmem:s12+$0xE330]  }
0x1bb: {  	v10 =	vld [tilespmem:s12+$0xE340];
	v7 =	vadd.f32 v7, v9  }
0x1bc: {  	v0 =	vadd.f32 v11, v0;
	v9 =	vld [tilespmem:s12+$0xE350]  }
0x1bd: {  	v2 =	vadd.f32 v8, v2;
	v8 =	vld [tilespmem:s12+$0xE360]  }
0x1be: {  	v11 =	vld [tilespmem:s12+$0xF300];
	v4 =	vadd.f32 v12, v4  }
0x1bf: {  	v12 =	vld [tilespmem:s12+$0xF310];
	v1 =	vadd.f32 v1, v5  }
0x1c0: {  	v5 =	vld [tilespmem:s12+$0xF320];
	v3 =	vadd.f32 v10, v3  }
0x1c1: {  	v10 =	vld [tilespmem:s12+$0xF330];
	v6 =	vadd.f32 v9, v6  }
0x1c2: {  	v9 =	vld [tilespmem:s12+$0xF340];
	v7 =	vadd.f32 v8, v7  }
0x1c3: {  	v0 =	vadd.f32 v11, v0;
	v8 =	vld [tilespmem:s12+$0xF350]  }
0x1c4: {  	v2 =	vadd.f32 v12, v2;
	v11 =	vld [tilespmem:s12+$0xF360]  }
0x1c5: {  	v12 =	vld [tilespmem:s12+$0x10300];
	v4 =	vadd.f32 v5, v4  }
0x1c6: {  	v5 =	vld [tilespmem:s12+$0x10310];
	v1 =	vadd.f32 v10, v1  }
0x1c7: {  	v10 =	vld [tilespmem:s12+$0x10320];
	v3 =	vadd.f32 v9, v3  }
0x1c8: {  	v9 =	vld [tilespmem:s12+$0x10330];
	v6 =	vadd.f32 v8, v6  }
0x1c9: {  	v8 =	vld [tilespmem:s12+$0x10340];
	v7 =	vadd.f32 v11, v7  }
0x1ca: {  	v0 =	vadd.f32 v12, v0;
	v11 =	vld [tilespmem:s12+$0x10350]  }
0x1cb: {  	v2 =	vadd.f32 v5, v2;
	v5 =	vld [tilespmem:s12+$0x10360]  }
0x1cc: {  	v12 =	vld [tilespmem:s12+$0x11300];
	v4 =	vadd.f32 v10, v4  }
0x1cd: {  	v10 =	vld [tilespmem:s12+$0x11310];
	v1 =	vadd.f32 v9, v1  }
0x1ce: {  	v9 =	vld [tilespmem:s12+$0x11320];
	v3 =	vadd.f32 v8, v3  }
0x1cf: {  	v8 =	vld [tilespmem:s12+$0x11330];
	v6 =	vadd.f32 v11, v6  }
0x1d0: {  	v11 =	vld [tilespmem:s12+$0x11340];
	v5 =	vadd.f32 v5, v7  }
0x1d1: {  	v0 =	vadd.f32 v12, v0;
	v7 =	vld [tilespmem:s12+$0x11350]  }
0x1d2: {  	v2 =	vadd.f32 v10, v2;
	v10 =	vld [tilespmem:s12+$0x11360]  }
0x1d3: {  	v12 =	vld [tilespmem:s12+$0x12300];
	v4 =	vadd.f32 v9, v4  }
0x1d4: {  	v9 =	vld [tilespmem:s12+$0x12310];
	v1 =	vadd.f32 v8, v1  }
0x1d5: {  	v8 =	vld [tilespmem:s12+$0x12320];
	v3 =	vadd.f32 v11, v3  }
0x1d6: {  	v11 =	vld [tilespmem:s12+$0x12330];
	v6 =	vadd.f32 v7, v6  }
0x1d7: {  	v7 =	vld [tilespmem:s12+$0x12340];
	v5 =	vadd.f32 v10, v5  }
0x1d8: {  	v0 =	vadd.f32 v12, v0;
	v10 =	vld [tilespmem:s12+$0x12350]  }
0x1d9: {  	v2 =	vadd.f32 v9, v2;
	v9 =	vld [tilespmem:s12+$0x12360]  }
0x1da: {  	v12 =	vld [tilespmem:s12+$0x13300];
	v4 =	vadd.f32 v8, v4  }
0x1db: {  	v8 =	vld [tilespmem:s12+$0x13310];
	v1 =	vadd.f32 v11, v1  }
0x1dc: {  	v11 =	vld [tilespmem:s12+$0x13320];
	v3 =	vadd.f32 v7, v3  }
0x1dd: {  	v7 =	vld [tilespmem:s12+$0x13330];
	v6 =	vadd.f32 v10, v6  }
0x1de: {  	v10 =	vld [tilespmem:s12+$0x13340];
	v5 =	vadd.f32 v9, v5  }
0x1df: {  	v0 =	vadd.f32 v12, v0;
	v9 =	vld [tilespmem:s12+$0x13350]  }
0x1e0: {  	v2 =	vadd.f32 v8, v2;
	v8 =	vld [tilespmem:s12+$0x13360]  }
0x1e1: {  	v12 =	vld [tilespmem:s12+$0x14300];
	v4 =	vadd.f32 v11, v4  }
0x1e2: {  	v11 =	vld [tilespmem:s12+$0x14310];
	v1 =	vadd.f32 v7, v1  }
0x1e3: {  	v7 =	vld [tilespmem:s12+$0x14320];
	v3 =	vadd.f32 v10, v3  }
0x1e4: {  	v10 =	vld [tilespmem:s12+$0x14330];
	v9 =	vadd.f32 v9, v6  }
0x1e5: {  	v13 =	vld [tilespmem:s12+$0x14340];
	v5 =	vadd.f32 v8, v5  }
0x1e6: {  	v12 =	vadd.f32 v12, v0;
	v0 =	vld [tilespmem:s12+$0x14350]  }
0x1e7: {  	v11 =	vadd.f32 v11, v2;
	v14 =	vld [tilespmem:s12+$0x14360]  }
0x1e8: {  	v15 =	vld [tilespmem:s12+$0x15300];
	v16 =	vadd.f32 v7, v4  }
0x1e9: {  	v4 =	vld [tilespmem:s12+$0x15310];
	v6 =	vadd.f32 v10, v1  }
0x1ea: {  	v10 =	vld [tilespmem:s12+$0x15320];
	v3 =	vadd.f32 v13, v3  }
.Ltmp1:
0x1eb: {  	v8 =	vld [tilespmem:s12+$0x15330];
	v2 =	vadd.f32 v0, v9;
	(pc) =	sbr.rel @p0 .LBB2_5-.Ltmp1, $4  }
0x1ec: {  	v7 =	vld [tilespmem:s12+$0x15340];
	v0 =	vadd.f32 v14, v5  }
0x1ed: {  	v12 =	vadd.f32 v15, v12;
	v5 =	vld [tilespmem:s12+$0x15350]  }
0x1ee: {  	s30 =	sshra.s32 s29, $0x2;
	v9 =	vadd.f32 v4, v11;
	v4 =	vld [tilespmem:s12+$0x15360]  }
0x1ef: {  	s29 =	sadd.s32 $0x200, s29;
	v1 =	vld [tilespmem:s30+$0xC370];
	v11 =	vmul.f32 $1.000000010e-01, v12;
	v10 =	vadd.f32 v10, v16  }
0x1f0: {  	v12 =	vld [tilespmem:s30+$0xD370];
	v9 =	vmul.f32 $1.000000010e-01, v9;
	v6 =	vadd.f32 v8, v6  }
0x1f1: {  	v13 =	vld [tilespmem:s30+$0xC300];
	[tilespmem:s12+$0x17300] =	vst v11;
	v57 =	vmul.f32 $1.000000010e-01, v10;
	v3 =	vadd.f32 v7, v3  }
0x1f2: {  	v11 =	vld [tilespmem:s30+$0xE370];
	[tilespmem:s12+$0x17310] =	vst v9;
	v6 =	vmul.f32 $1.000000010e-01, v6;
	v2 =	vadd.f32 v5, v2  }
0x1f3: {  	v9 =	vld [tilespmem:s30+$0xD300];
	[tilespmem:s12+$0x17320] =	vst v57;
	v3 =	vmul.f32 $1.000000010e-01, v3;
	v0 =	vadd.f32 v4, v0  }
0x1f4: {  	v58 =	vld [tilespmem:s30+$0xF370];
	[tilespmem:s12+$0x17330] =	vst v6;
	v2 =	vmul.f32 $1.000000010e-01, v2  }
0x1f5: {  	v59 =	vld [tilespmem:s30+$0xC310];
	[tilespmem:s12+$0x17340] =	vst v3;
	v0 =	vmul.f32 $1.000000010e-01, v0  }
0x1f6: {  	v3 =	vld [tilespmem:s30+$0x10370];
	[tilespmem:s12+$0x17350] =	vst v2  }
0x1f7: {  	v2 =	vld [tilespmem:s30+$0xD310];
	[tilespmem:s12+$0x17360] =	vst v0  }
0x1f8: {  	v61 =	vld [tilespmem:s30+$0x11370]  }
0x1f9: {  	v62 =	vld [tilespmem:s30+$0xC320]  }
0x1fa: {  	v6 =	vld [tilespmem:s30+$0x12370]  }
0x1fb: {  	v63 =	vld [tilespmem:s30+$0xD320]  }
0x1fc: {  	v42 =	vld [tilespmem:s30+$0x13370]  }
0x1fd: {  	v8 =	vld [tilespmem:s30+$0xC330]  }
0x1fe: {  	v43 =	vld [tilespmem:s30+$0x14370]  }
0x1ff: {  	v44 =	vld [tilespmem:s30+$0xD330]  }
0x200: {  	v45 =	vld [tilespmem:s30+$0x15370]  }
0x201: {  	v46 =	vld [tilespmem:s30+$0xC340]  }
0x202: {  	v47 =	vld [tilespmem:s30+$0xD340]  }
0x203: {  	v48 =	vld [tilespmem:s30+$0xC350]  }
0x204: {  	v49 =	vld [tilespmem:s30+$0xD350]  }
0x205: {  	v14 =	vld [tilespmem:s30+$0xC360]  }
0x206: {  	v50 =	vld [tilespmem:s30+$0xD360]  }
0x207: {  	v15 =	vld [tilespmem:s30+$0xE300]  }
0x208: {  	v16 =	vld [tilespmem:s30+$0xE310]  }
0x209: {  	v17 =	vld [tilespmem:s30+$0xE320]  }
0x20a: {  	v51 =	vld [tilespmem:s30+$0xE330]  }
0x20b: {  	v18 =	vld [tilespmem:s30+$0xE340]  }
0x20c: {  	v19 =	vld [tilespmem:s30+$0xE350]  }
0x20d: {  	v20 =	vld [tilespmem:s30+$0xE360]  }
0x20e: {  	v21 =	vld [tilespmem:s30+$0xF300]  }
0x20f: {  	v22 =	vld [tilespmem:s30+$0xF310]  }
0x210: {  	v23 =	vld [tilespmem:s30+$0xF320]  }
0x211: {  	v24 =	vld [tilespmem:s30+$0xF330]  }
0x212: {  	v25 =	vld [tilespmem:s30+$0xF340]  }
0x213: {  	v26 =	vld [tilespmem:s30+$0xF350]  }
0x214: {  	v27 =	vld [tilespmem:s30+$0xF360]  }
0x215: {  	v28 =	vld [tilespmem:s30+$0x10300]  }
0x216: {  	v29 =	vld [tilespmem:s30+$0x10310]  }
0x217: {  	v30 =	vld [tilespmem:s30+$0x10320]  }
0x218: {  	v31 =	vld [tilespmem:s30+$0x10330]  }
0x219: {  	v32 =	vld [tilespmem:s30+$0x10340]  }
0x21a: {  	v1 =	vadd.f32 v12, v1;
	v33 =	vld [tilespmem:s30+$0x10350]  }
0x21b: {  	v34 =	vld [tilespmem:s30+$0x10360]  }
0x21c: {  	v60 =	vadd.f32 v11, v1;
	v35 =	vld [tilespmem:s30+$0x11300]  }
0x21d: {  	v36 =	vld [tilespmem:s30+$0x11310]  }
0x21e: {  	v37 =	vld [tilespmem:s30+$0x11320];
	v0 =	vadd.f32 v58, v60  }
0x21f: {  	v38 =	vld [tilespmem:s30+$0x11330]  }
0x220: {  	v39 =	vld [tilespmem:s30+$0x11340];
	v0 =	vadd.f32 v3, v0  }
0x221: {  	v40 =	vld [tilespmem:s30+$0x11350];
	v9 =	vadd.f32 v9, v13;
	v2 =	vadd.f32 v2, v59  }
0x222: {  	v41 =	vld [tilespmem:s30+$0x11360];
	v0 =	vadd.f32 v61, v0;
	v4 =	vadd.f32 v63, v62  }
0x223: {  	v52 =	vld [tilespmem:s30+$0x12300];
	v54 =	vadd.f32 v44, v8;
	v3 =	vadd.f32 v47, v46  }
0x224: {  	v53 =	vld [tilespmem:s30+$0x12310];
	v1 =	vadd.f32 v49, v48;
	v9 =	vadd.f32 v15, v9  }
0x225: {  	v55 =	vld [tilespmem:s30+$0x12320];
	v2 =	vadd.f32 v16, v2;
	v0 =	vadd.f32 v6, v0  }
0x226: {  	v56 =	vld [tilespmem:s30+$0x12330];
	v6 =	vadd.f32 v50, v14;
	v4 =	vadd.f32 v17, v4  }
0x227: {  	v57 =	vld [tilespmem:s30+$0x12340];
	v3 =	vadd.f32 v18, v3;
	v1 =	vadd.f32 v19, v1  }
0x228: {  	v58 =	vld [tilespmem:s30+$0x12350];
	v9 =	vadd.f32 v21, v9;
	v2 =	vadd.f32 v22, v2  }
0x229: {  	v60 =	vld [tilespmem:s30+$0x13300];
	v0 =	vadd.f32 v42, v0;
	v6 =	vadd.f32 v20, v6  }
0x22a: {  	v59 =	vld [tilespmem:s30+$0x12360];
	v4 =	vadd.f32 v23, v4;
	v3 =	vadd.f32 v25, v3  }
0x22b: {  	v61 =	vld [tilespmem:s30+$0x13310];
	v1 =	vadd.f32 v26, v1;
	v9 =	vadd.f32 v28, v9  }
0x22c: {  	v62 =	vld [tilespmem:s30+$0x13320];
	v2 =	vadd.f32 v29, v2;
	v0 =	vadd.f32 v43, v0  }
0x22d: {  	v63 =	vld [tilespmem:s30+$0x13330];
	v6 =	vadd.f32 v27, v6;
	v4 =	vadd.f32 v30, v4  }
0x22e: {  	v44 =	vld [tilespmem:s30+$0x13360];
	v3 =	vadd.f32 v32, v3;
	v1 =	vadd.f32 v33, v1  }
0x22f: {  	v46 =	vld [tilespmem:s30+$0x14310];
	v9 =	vadd.f32 v35, v9;
	v2 =	vadd.f32 v36, v2  }
0x230: {  	v47 =	vld [tilespmem:s30+$0x14320];
	v0 =	vadd.f32 v45, v0;
	v6 =	vadd.f32 v34, v6  }
0x231: {  	v48 =	vld [tilespmem:s30+$0x14330];
	v4 =	vadd.f32 v37, v4;
	v3 =	vadd.f32 v39, v3  }
0x232: {  	v49 =	vld [tilespmem:s30+$0x14340];
	v1 =	vadd.f32 v40, v1;
	v9 =	vadd.f32 v52, v9  }
0x233: {  	v42 =	vld [tilespmem:s30+$0x13340];
	v2 =	vadd.f32 v53, v2;
	v0 =	vmul.f32 $1.000000010e-01, v0;
	v6 =	vadd.f32 v41, v6  }
0x234: {  	v43 =	vld [tilespmem:s30+$0x13350];
	v4 =	vadd.f32 v55, v4;
	v3 =	vadd.f32 v57, v3  }
0x235: {  	v45 =	vld [tilespmem:s30+$0x14300];
	v1 =	vadd.f32 v58, v1;
	[tilespmem:s30+$0x17370] =	vst v0;
	v0 =	vadd.f32 v51, v54  }
0x236: {  	v50 =	vld [tilespmem:s30+$0x14350];
	v9 =	vadd.f32 v60, v9;
	v2 =	vadd.f32 v61, v2  }
0x237: {  	v52 =	vld [tilespmem:s30+$0x15300];
	v6 =	vadd.f32 v59, v6;
	v0 =	vadd.f32 v24, v0  }
0x238: {  	v53 =	vld [tilespmem:s30+$0x15310];
	v4 =	vadd.f32 v62, v4;
	v3 =	vadd.f32 v42, v3  }
0x239: {  	v57 =	vld [tilespmem:s30+$0x15350];
	v1 =	vadd.f32 v43, v1;
	v0 =	vadd.f32 v31, v0  }
0x23a: {  	v51 =	vld [tilespmem:s30+$0x14360];
	v9 =	vadd.f32 v45, v9;
	v2 =	vadd.f32 v46, v2  }
0x23b: {  	v54 =	vld [tilespmem:s30+$0x15320];
	v6 =	vadd.f32 v44, v6;
	v0 =	vadd.f32 v38, v0  }
0x23c: {  	v58 =	vld [tilespmem:s30+$0x15360];
	v4 =	vadd.f32 v47, v4;
	v1 =	vadd.f32 v50, v1  }
0x23d: {  	v9 =	vadd.f32 v52, v9;
	v0 =	vadd.f32 v56, v0;
	v56 =	vld [tilespmem:s30+$0x15340]  }
0x23e: {  	v55 =	vld [tilespmem:s30+$0x15330];
	v2 =	vadd.f32 v53, v2;
	v1 =	vadd.f32 v57, v1  }
0x23f: {  	v59 =	vmul.f32 $1.000000010e-01, v9;
	v6 =	vadd.f32 v51, v6;
	v0 =	vadd.f32 v63, v0  }
0x240: {  	v3 =	vadd.f32 v49, v3;
	v4 =	vadd.f32 v54, v4;
	v2 =	vmul.f32 $1.000000010e-01, v2  }
0x241: {  	v62 =	vmul.f32 $1.000000010e-01, v1;
	[tilespmem:s30+$0x17300] =	vst v59;
	v61 =	vadd.f32 v58, v6;
	v0 =	vadd.f32 v48, v0  }
0x242: {  	s4 =	sadd.s32 $0x1, s4;
	v4 =	vmul.f32 $1.000000010e-01, v4;
	[tilespmem:s30+$0x17310] =	vst v2;
	v3 =	vadd.f32 v56, v3  }
0x243: {  	p0 =	sne.s32 s4, $0x31;
	[tilespmem:s30+$0x17350] =	vst v62;
	v63 =	vmul.f32 $1.000000010e-01, v61;
	v0 =	vadd.f32 v55, v0  }
.Ltmp2:
0x244: {  	[tilespmem:s30+$0x17320] =	vst v4;
	v60 =	vmul.f32 $1.000000010e-01, v3;
	(pc) =	sbr.rel @p0 .LBB2_2-.Ltmp2, $4  }
0x245: {  	[tilespmem:s30+$0x17360] =	vst v63;
	v0 =	vmul.f32 $1.000000010e-01, v0  }
0x246: {  	[tilespmem:s30+$0x17340] =	vst v60  }
0x247: {  	s31 =	sadd.s32 s28, s10;
	[tilespmem:s30+$0x17330] =	vst v0  }
0x248: {  	[hbm4b:s31+s19] =	stream.strided.scatter [tilespmem:s7], [sflag:$0x6], $0x1000, s20, s19, $0x38;
	[tilespmem:$0x18300] =	vst v63  }
0x249: {  	s4 =	simm.s32 $0x3  }
0x24a: {  	_ =	swait.ge [sflag:s4], $0x1000  }
0x24b: {  	[sflag:s4] =	ssyncset.done $0x0  }
0x24c: {  	[sflag:s4] =	ssyncadd.s32 $0xFFFFF000  }
0x24d: {  	_ =	swait.ge [sflag:s6], $0x1000  }
0x24e: {  	[sflag:s6] =	ssyncset.done $0x0  }
0x24f: {  	s30 =	simm.s32 $0x4;
	[sflag:s6] =	ssyncadd.s32 $0xFFFFF000  }
0x250: {  	_ =	swait.ge [sflag:s30], $0x1000  }
0x251: {  	[sflag:s30] =	ssyncset.done $0x0  }
0x252: {  	[sflag:s30] =	ssyncadd.s32 $0xFFFFF000  }
0x253: {  	_ =	swait.ge [sflag:s14], $0x1000  }
0x254: {  	s12 =	rddreg [dreg:$0x7]  }
0x255: {  	s31 =	rddreg [dreg:$0x6];
	s12 =	sadd.s32 $0x1, s12  }
0x256: {  	p0 =	sne.s32 s12, s31  }
.Ltmp3:
0x257: {  	_ = 	snop;
	(pc) =	sbr.rel @p0 .LBB2_1-.Ltmp3, $3  }
0x258: {  	_ =	sdelay $0x1  }
0x259: {  	[sflag:s14] =	ssyncset.done $0x0  }
0x25a: {  	[sflag:s14] =	ssyncadd.s32 $0xFFFFF000  }
0x25b: {  	_ =	sfence.sel $0x180000  }
0x25c: {  	[bflag:$0x0] =	sbarrier.arrive $0xFFFF  }
0x25d: {  	_ =	strace $0x90000047  }
0x25e: {  	s0 =	stileid.u32;
	[bflag:$0x2] =	sbarrier.arrive $0xFFFF  }
0x25f: {  	p0 =	sne.s32 s0, $0x0;
	s0 =	rddreg [dreg:$0x3]  }
0x260: {  	s0 =	sadd.s32 @!p0 $0x100000, s0  }
0x261: {  	[sflag:s0] =	ssyncadd.tile.s32 @!p0 $0x1;
	_ =	shalt  }
.Lfunc_end2:
_tile_overlayer_lowered:
.L_overlay_start_2:
0x262: {  	(tag) =	ssettag $0x2  }
0x263: {  	s0 =	rddreg [dreg:$0x0];
	s2 =	stileid.u32  }
0x264: {  	s1 =	rddreg [dreg:$0x1];
	p0 =	sne.s32 s2, $0x0  }
0x265: {  	s3 =	rddreg [dreg:$0x2];
	[bflag:$0x3] =	sbarrier.arrive $0xFFFF;
	s2 =	simm.s32 @!p0 $0x1C09  }
0x266: {  	[timem:s3], [sflag:s2] =	dma.local @!p0 [hbm:s0], s1  }
0x267: {  	s0 =	simm.s32 @!p0 $0x9  }
0x268: {  	_ =	swait.ge @!p0 [sflag:s0], s1  }
0x269: {  	s1 =	ssub.s32 @!p0 $0x0, s1;
	[sflag:s0] =	ssyncset.done @!p0 $0x0  }
0x26a: {  	[sflag:s0] =	ssyncadd.s32 @!p0 s1  }
0x26b: {  	[bflag:$0x3] =	sbarrier.arrive $0xFFFF  }
0x26c: {  	_ =	shalt  }

</sc_bundles>
